<compile_context>
chip_gen: v7x
topology: tpu7x:2x2x1
jax: 0.10.2.dev20260603
libtpu: 0.0.44.dev20260713+nightly
codegen_flags: <defaults>
</compile_context>

<pallas_src>
import functools

import jax
import jax.numpy as jnp
from jax import lax
from jax.experimental import pallas as pl
from jax.experimental.pallas import tpu as pltpu
from jax.experimental.pallas import tpu_sc as plsc

N = 10000
E = 320000
D = 128
G = 256
K = 10

NC = 2
NS = 16
NW = NC * NS
CH = 128
NCHUNK = E // CH
BASE_CH = NCHUNK // NW
EXTRA_CH = NCHUNK - BASE_CH * NW
RPT = 632
RPT_LAST = N - RPT * (NS - 1)


NITER = 80


def _segsum_body(x_hbm, src_hbm, dst_hbm, zero_hbm, out_hbm,
                 src_v0, src_v1, dst_v0, dst_v1, rows_v0, rows_v1,
                 acc_sh, semi0, semi1, semg0, semg1):
    c = lax.axis_index("c")
    s = lax.axis_index("s")
    wid = s * NC + c

    @pl.when(s == 0)
    def _():
        pltpu.sync_copy(zero_hbm, acc_sh)

    plsc.subcore_barrier()

    src_v = (src_v0, src_v1)
    dst_v = (dst_v0, dst_v1)
    rows_v = (rows_v0, rows_v1)
    semi = (semi0, semi1)
    semg = (semg0, semg1)

    def chunk_off(i):
        ch = wid + i * NW
        return jnp.where(ch < NCHUNK, ch, 0) * CH

    def start_idx(i, b):
        off = chunk_off(i)
        pltpu.async_copy(src_hbm.at[pl.ds(off, CH)], src_v[b], semi[b])
        pltpu.async_copy(dst_hbm.at[pl.ds(off, CH)], dst_v[b], semi[b])

    def wait_idx(i, b):
        off = chunk_off(i)
        pltpu.make_async_copy(src_hbm.at[pl.ds(off, CH)], src_v[b], semi[b]).wait()
        pltpu.make_async_copy(dst_hbm.at[pl.ds(off, CH)], dst_v[b], semi[b]).wait()

    pltpu.sync_copy(src_hbm.at[pl.ds(chunk_off(0), CH)], src_v0)
    pltpu.sync_copy(dst_hbm.at[pl.ds(chunk_off(0), CH)], dst_v0)
    pltpu.async_copy(x_hbm.at[src_v0], rows_v0, semg0)
    start_idx(1, 1)

    def pair_body(jj, carry):
        for b in (0, 1):
            i = 2 * jj + b
            nb = 1 - b

            @pl.when(i + 1 < NITER)
            def _():
                wait_idx(i + 1, nb)
                pltpu.async_copy(x_hbm.at[src_v[nb]], rows_v[nb], semg[nb])

            pltpu.make_async_copy(x_hbm.at[src_v[b]], rows_v[b], semg[b]).wait()

            @pl.when(wid + i * NW < NCHUNK)
            def _():
                pltpu.sync_copy(rows_v[b], acc_sh.at[dst_v[b]], add=True)

            @pl.when(i + 2 < NITER)
            def _():
                start_idx(i + 2, b)
        return carry

    lax.fori_loop(0, NITER // 2, pair_body, 0)

    plsc.subcore_barrier()

    @pl.when(s < NS - 1)
    def _():
        pltpu.sync_copy(acc_sh.at[pl.ds(s * RPT, RPT)],
                        out_hbm.at[c, pl.ds(s * RPT, RPT)])

    @pl.when(s == NS - 1)
    def _():
        pltpu.sync_copy(acc_sh.at[pl.ds((NS - 1) * RPT, RPT_LAST)],
                        out_hbm.at[c, pl.ds((NS - 1) * RPT, RPT_LAST)])


@functools.lru_cache(maxsize=1)
def _make_sc_segsum():
    return functools.partial(
        pl.kernel,
        out_type=jax.ShapeDtypeStruct((NC, N, D), jnp.float32),
        mesh=plsc.VectorSubcoreMesh(core_axis_name="c", subcore_axis_name="s"),
        scratch_types=[
            pltpu.VMEM((CH,), jnp.int32),
            pltpu.VMEM((CH,), jnp.int32),
            pltpu.VMEM((CH,), jnp.int32),
            pltpu.VMEM((CH,), jnp.int32),
            pltpu.VMEM((CH, D), jnp.float32),
            pltpu.VMEM((CH, D), jnp.float32),
            pltpu.VMEM_SHARED((N, D), jnp.float32),
            pltpu.SemaphoreType.DMA,
            pltpu.SemaphoreType.DMA,
            pltpu.SemaphoreType.DMA,
            pltpu.SemaphoreType.DMA,
        ],
    )(_segsum_body)


R = 2000
NB = N // R


def _mm(a, b):
    return lax.dot_general(a, b, (((1,), (0,)), ((), ())),
                           preferred_element_type=jnp.float32)


def _mm_exact(a, b, dims=(((1,), (0,)), ((), ()))):
    return lax.dot_general(a, b, dims,
                           preferred_element_type=jnp.float32,
                           precision=lax.Precision.HIGHEST)


def _conv1_body(agg_ref, x_ref, wrel_ref, brel_ref, wroot_ref, o_ref):
    a = agg_ref[0] + agg_ref[1]
    h = _mm(a, wrel_ref[...]) + brel_ref[...] + _mm(x_ref[...], wroot_ref[...])
    o_ref[...] = jnp.maximum(h, 0.0)


def _tc_conv1(aggp, x, wrel, brel, wroot):
    return pl.pallas_call(
        _conv1_body,
        grid=(NB,),
        in_specs=[
            pl.BlockSpec((NC, R, D), lambda i: (0, i, 0)),
            pl.BlockSpec((R, D), lambda i: (i, 0)),
            pl.BlockSpec((D, D), lambda i: (0, 0)),
            pl.BlockSpec((1, D), lambda i: (0, 0)),
            pl.BlockSpec((D, D), lambda i: (0, 0)),
        ],
        out_specs=pl.BlockSpec((R, D), lambda i: (i, 0)),
        out_shape=jax.ShapeDtypeStruct((N, D), jnp.float32),
    )(aggp, x, wrel, brel, wroot)


def _final_body(agg_ref, h1_ref, wrel_ref, brel_ref, wroot_ref,
                batch_ref, wd_ref, bd_ref, o_ref, psum, cnt):
    i = pl.program_id(0)

    @pl.when(i == 0)
    def _():
        psum[...] = jnp.zeros((G, D), jnp.float32)
        cnt[...] = jnp.zeros((G, D), jnp.float32)

    a = agg_ref[0] + agg_ref[1]
    h2 = _mm(a, wrel_ref[...]) + brel_ref[...] + _mm(h1_ref[...], wroot_ref[...])
    h2 = jnp.maximum(h2, 0.0)

    oh = (batch_ref[...] == lax.broadcasted_iota(jnp.int32, (R, G), 1))
    oh = oh.astype(jnp.float32)
    psum[...] += _mm_exact(oh, h2, (((0,), (0,)), ((), ())))
    cnt[...] += _mm_exact(oh, jnp.ones((R, D), jnp.float32),
                          (((0,), (0,)), ((), ())))

    @pl.when(i == NB - 1)
    def _():
        pooled = psum[...] / jnp.maximum(cnt[...], 1.0)
        pp = lax.dot_general(pooled, pooled, (((1,), (1,)), ((), ())),
                             preferred_element_type=jnp.float32)
        r2 = pooled * pooled
        sq_row = _mm_exact(jnp.ones((1, D), jnp.float32), r2,
                           (((1,), (1,)), ((), ())))
        d2 = sq_row - 2.0 * pp

        iota_c = lax.broadcasted_iota(jnp.int32, (G, G), 1)
        out = jnp.full((G, D), -jnp.inf, jnp.float32)
        d2w = d2
        for _ in range(K):
            m = jnp.min(d2w, axis=1, keepdims=True)
            am = jnp.min(jnp.where(d2w == m, iota_c, G), axis=1, keepdims=True)
            sel = (iota_c == am).astype(jnp.float32)
            xj = _mm_exact(sel, pooled)
            cat = jnp.concatenate([pooled, xj - pooled], axis=1)
            msg = _mm(cat, wd_ref[...]) + bd_ref[...]
            out = jnp.maximum(out, jnp.where(msg >= 0.0, msg, 0.01 * msg))
            d2w = jnp.where(iota_c == am, jnp.inf, d2w)
        o_ref[...] = out


def _tc_final(aggp, h1, wrel, brel, wroot, batch2d, wd, bd):
    return pl.pallas_call(
        _final_body,
        grid=(NB,),
        in_specs=[
            pl.BlockSpec((NC, R, D), lambda i: (0, i, 0)),
            pl.BlockSpec((R, D), lambda i: (i, 0)),
            pl.BlockSpec((D, D), lambda i: (0, 0)),
            pl.BlockSpec((1, D), lambda i: (0, 0)),
            pl.BlockSpec((D, D), lambda i: (0, 0)),
            pl.BlockSpec((R, 1), lambda i: (i, 0)),
            pl.BlockSpec((2 * D, D), lambda i: (0, 0)),
            pl.BlockSpec((1, D), lambda i: (0, 0)),
        ],
        out_specs=pl.BlockSpec((G, D), lambda i: (0, 0)),
        out_shape=jax.ShapeDtypeStruct((G, D), jnp.float32),
        scratch_shapes=[
            pltpu.VMEM((G, D), jnp.float32),
            pltpu.VMEM((G, D), jnp.float32),
        ],
    )(aggp, h1, wrel, brel, wroot, batch2d, wd, bd)


def kernel(x, edge_index, batch, W_rel1, b_rel1, W_root1,
           W_rel2, b_rel2, W_root2, Wd, bd):
    src = edge_index[0]
    dst = edge_index[1]
    zero = jnp.zeros((N, D), jnp.float32)
    batch2d = batch.reshape(N, 1)

    sc_segsum = _make_sc_segsum()
    aggp1 = sc_segsum(x, src, dst, zero)
    h1 = _tc_conv1(aggp1, x, W_rel1, b_rel1.reshape(1, D), W_root1)
    aggp2 = sc_segsum(h1, src, dst, zero)
    out = _tc_final(aggp2, h1, W_rel2, b_rel2.reshape(1, D), W_root2,
                    batch2d, Wd, bd.reshape(1, D))
    return out

# --- scband reference (transcript-rebuilt; emitter-appended) ---
"""Pipeline reference for scband-graph-in-graph-13151189860865 (READ-ONLY COPY).

The authoritative reference and input builder live on the scoring server;
editing this copy changes nothing except your own understanding.
"""

import jax, jax.numpy as jnp
import numpy as np

N = 10000   # nodes
E = 320000  # edges
D = 128     # feature dim (num_node_features == node_conv_size == dgcnn_conv_size)
G = 256     # number of graphs in batch
K = 10      # kNN neighbors in DynamicEdgeConv


def setup_inputs(seed: int = 0) -> dict:
    key = jax.random.key(seed)
    ks = jax.random.split(key, 12)
    x = jax.random.normal(ks[0], (N, D), dtype=jnp.float32)
    edge_index = jax.random.randint(ks[1], (2, E), 0, N, dtype=jnp.int32)
    batch = jnp.sort(jax.random.randint(ks[2], (N,), 0, G, dtype=jnp.int32))
    s = 1.0 / np.sqrt(D)
    W_rel1 = jax.random.normal(ks[3], (D, D), dtype=jnp.float32) * s
    b_rel1 = jnp.zeros((D,), dtype=jnp.float32)
    W_root1 = jax.random.normal(ks[4], (D, D), dtype=jnp.float32) * s
    W_rel2 = jax.random.normal(ks[5], (D, D), dtype=jnp.float32) * s
    b_rel2 = jnp.zeros((D,), dtype=jnp.float32)
    W_root2 = jax.random.normal(ks[6], (D, D), dtype=jnp.float32) * s
    Wd = jax.random.normal(ks[7], (2 * D, D), dtype=jnp.float32) * (1.0 / np.sqrt(2 * D))
    bd = jnp.zeros((D,), dtype=jnp.float32)
    return {"x": x, "edge_index": edge_index, "batch": batch,
            "W_rel1": W_rel1, "b_rel1": b_rel1, "W_root1": W_root1,
            "W_rel2": W_rel2, "b_rel2": b_rel2, "W_root2": W_root2,
            "Wd": Wd, "bd": bd}


def reference(x, edge_index, batch, W_rel1, b_rel1, W_root1, W_rel2, b_rel2, W_root2, Wd, bd):
    src = edge_index[0]
    dst = edge_index[1]
    # --- NodeConvolution: GraphConv layer 1 ---
    # PyG GraphConv: out_i = lin_rel(sum_{j in N(i)} x_j) + lin_root(x_i)
    agg1 = jax.ops.segment_sum(x[src], dst, num_segments=N)
    h = agg1 @ W_rel1 + b_rel1 + x @ W_root1
    h = jax.nn.relu(h)
    # --- GraphConv layer 2 ---
    agg2 = jax.ops.segment_sum(h[src], dst, num_segments=N)
    h = agg2 @ W_rel2 + b_rel2 + h @ W_root2
    h = jax.nn.relu(h)
    # --- global_mean_pool over batch vector ---
    sums = jax.ops.segment_sum(h, batch, num_segments=G)
    cnt = jax.ops.segment_sum(jnp.ones((N, 1), h.dtype), batch, num_segments=G)
    pooled = sums / jnp.maximum(cnt, 1.0)
    # --- DGCNN layer: DynamicEdgeConv(Sequential(Linear(2D, D), LeakyReLU), k=10, aggr='max') ---
    sq = jnp.sum(pooled * pooled, axis=1)
    d2 = sq[:, None] + sq[None, :] - 2.0 * (pooled @ pooled.T)
    _, idx = jax.lax.top_k(-d2, K)  # knn in feature space (includes self)
    xj = pooled[idx]                           # [G, K, D]
    xi = jnp.broadcast_to(pooled[:, None, :], (G, K, D))
    msg = jnp.concatenate([xi, xj - xi], axis=-1) @ Wd + bd
    msg = jax.nn.leaky_relu(msg, 0.01)
    out = jnp.max(msg, axis=1)                 # max aggregation over k neighbors
    return out

if __name__ == "__main__":
    import jax
    _d = setup_inputs()
    print(jax.jit(kernel)(*tuple(_d.values())))

</pallas_src>

<mosaic_0001>
#map = affine_map<(d0, d1) -> (0, 0)>
#map1 = affine_map<(d0, d1) -> (0)>
#map2 = affine_map<(d0, d1) -> (0, 0, 0)>
module attributes {stable_mosaic.version = 14 : i64} {
  func.func @_segsum_body(%arg0: i32, %arg1: i32, %arg2: memref<10000x128xf32, #tpu.memory_space<hbm>>, %arg3: memref<320000xi32, #tpu.memory_space<hbm>>, %arg4: memref<320000xi32, #tpu.memory_space<hbm>>, %arg5: memref<10000x128xf32, #tpu.memory_space<hbm>>, %arg6: memref<2x10000x128xf32, #tpu.memory_space<hbm>>, %arg7: memref<128xi32, #tpu.memory_space<vmem>>, %arg8: memref<128xi32, #tpu.memory_space<vmem>>, %arg9: memref<128xi32, #tpu.memory_space<vmem>>, %arg10: memref<128xi32, #tpu.memory_space<vmem>>, %arg11: memref<128x128xf32, #tpu.memory_space<vmem>>, %arg12: memref<128x128xf32, #tpu.memory_space<vmem>>, %arg13: memref<10000x128xf32, #tpu.memory_space<vmem_shared>>, %arg14: memref<!tpu.dma_semaphore, #tpu.memory_space<semaphore_mem>>, %arg15: memref<!tpu.dma_semaphore, #tpu.memory_space<semaphore_mem>>, %arg16: memref<!tpu.dma_semaphore, #tpu.memory_space<semaphore_mem>>, %arg17: memref<!tpu.dma_semaphore, #tpu.memory_space<semaphore_mem>>) attributes {dimension_semantics = [#tpu.dimension_semantics<core_parallel>, #tpu.dimension_semantics<subcore_parallel>], iteration_bounds = array<i64: 2, 16>, scalar_prefetch = 0 : i64, scratch_operands = 11 : i64, tpu.core_type = #tpu.core_type<sc_vector_subcore>, window_params = [{transform_indices = #map}, {transform_indices = #map1}, {transform_indices = #map1}, {transform_indices = #map}, {transform_indices = #map2}]} {
    %mul3A = arith.constant 2 : i32
    %mul3A_0 = arith.muli %arg1, %mul3A : i32
    %add3A = arith.addi %mul3A_0, %arg0 : i32
    %eq3A = arith.constant 0 : i32
    %eq3A_1 = arith.cmpi eq, %arg1, %eq3A : i32
    %convert_element_type3A = arith.extui %eq3A_1 : i1 to i32
    %cond3A = arith.constant 0 : i32
    %cond3A_2 = arith.cmpi ne, %convert_element_type3A, %cond3A : i32
    scf.if %cond3A_2 {
      "tpu.region"() ({
        %run_scoped3A = tpu.sem_alloc : memref<!tpu.dma_semaphore, #tpu.memory_space<semaphore_mem>>
        tpu.enqueue_dma source(%arg5 : memref<10000x128xf32, #tpu.memory_space<hbm>>) target(%arg13 : memref<10000x128xf32, #tpu.memory_space<vmem_shared>>) target_semaphore(%run_scoped3A : memref<!tpu.dma_semaphore, #tpu.memory_space<semaphore_mem>>)
        tpu.wait_dma2 semaphore(%run_scoped3A : memref<!tpu.dma_semaphore, #tpu.memory_space<semaphore_mem>>) src(%arg5 : memref<10000x128xf32, #tpu.memory_space<hbm>>) dst(%arg13 : memref<10000x128xf32, #tpu.memory_space<vmem_shared>>)
        tpu.yield
      }) : () -> ()
    } else {
    }
    %barrier3A = arith.constant 0 : index
    tpu.barrier barrier_id(%barrier3A)
    %add3A_3 = arith.constant 0 : i32
    %add3A_4 = arith.addi %add3A, %add3A_3 : i32
    %lt3A = arith.constant 2500 : i32
    %lt3A_5 = arith.cmpi slt, %add3A_4, %lt3A : i32
    %jit3A = arith.constant 0 : i32
    %select_n3A = arith.select %lt3A_5, %add3A_4, %jit3A : i32
    %mul3A_6 = arith.constant 128 : i32
    %mul3A_7 = arith.muli %select_n3A, %mul3A_6 : i32
    "tpu.region"() ({
      %run_scoped3A = tpu.sem_alloc : memref<!tpu.dma_semaphore, #tpu.memory_space<semaphore_mem>>
      %dma_start3A_46 = tpu.memref_slice %arg3[%mul3A_7] : memref<320000xi32, #tpu.memory_space<hbm>> -> memref<128xi32, #tpu.memory_space<hbm>>
      %dma_start3A_47 = tpu.memref_slice %arg3[%mul3A_7] : memref<320000xi32, #tpu.memory_space<hbm>> -> memref<128xi32, #tpu.memory_space<hbm>>
      tpu.enqueue_dma source(%dma_start3A_47 : memref<128xi32, #tpu.memory_space<hbm>>) target(%arg7 : memref<128xi32, #tpu.memory_space<vmem>>) target_semaphore(%run_scoped3A : memref<!tpu.dma_semaphore, #tpu.memory_space<semaphore_mem>>)
      %dma_wait3A = tpu.memref_slice %arg3[%mul3A_7] : memref<320000xi32, #tpu.memory_space<hbm>> -> memref<128xi32, #tpu.memory_space<hbm>>
      %dma_wait3A_48 = tpu.memref_slice %arg3[%mul3A_7] : memref<320000xi32, #tpu.memory_space<hbm>> -> memref<128xi32, #tpu.memory_space<hbm>>
      tpu.wait_dma2 semaphore(%run_scoped3A : memref<!tpu.dma_semaphore, #tpu.memory_space<semaphore_mem>>) src(%dma_wait3A_48 : memref<128xi32, #tpu.memory_space<hbm>>) dst(%arg7 : memref<128xi32, #tpu.memory_space<vmem>>)
      tpu.yield
    }) : () -> ()
    %add3A_8 = arith.constant 0 : i32
    %add3A_9 = arith.addi %add3A, %add3A_8 : i32
    %lt3A_10 = arith.constant 2500 : i32
    %lt3A_11 = arith.cmpi slt, %add3A_9, %lt3A_10 : i32
    %jit3A_12 = arith.constant 0 : i32
    %select_n3A_13 = arith.select %lt3A_11, %add3A_9, %jit3A_12 : i32
    %mul3A_14 = arith.constant 128 : i32
    %mul3A_15 = arith.muli %select_n3A_13, %mul3A_14 : i32
    "tpu.region"() ({
      %run_scoped3A = tpu.sem_alloc : memref<!tpu.dma_semaphore, #tpu.memory_space<semaphore_mem>>
      %dma_start3A_46 = tpu.memref_slice %arg4[%mul3A_15] : memref<320000xi32, #tpu.memory_space<hbm>> -> memref<128xi32, #tpu.memory_space<hbm>>
      %dma_start3A_47 = tpu.memref_slice %arg4[%mul3A_15] : memref<320000xi32, #tpu.memory_space<hbm>> -> memref<128xi32, #tpu.memory_space<hbm>>
      tpu.enqueue_dma source(%dma_start3A_47 : memref<128xi32, #tpu.memory_space<hbm>>) target(%arg9 : memref<128xi32, #tpu.memory_space<vmem>>) target_semaphore(%run_scoped3A : memref<!tpu.dma_semaphore, #tpu.memory_space<semaphore_mem>>)
      %dma_wait3A = tpu.memref_slice %arg4[%mul3A_15] : memref<320000xi32, #tpu.memory_space<hbm>> -> memref<128xi32, #tpu.memory_space<hbm>>
      %dma_wait3A_48 = tpu.memref_slice %arg4[%mul3A_15] : memref<320000xi32, #tpu.memory_space<hbm>> -> memref<128xi32, #tpu.memory_space<hbm>>
      tpu.wait_dma2 semaphore(%run_scoped3A : memref<!tpu.dma_semaphore, #tpu.memory_space<semaphore_mem>>) src(%dma_wait3A_48 : memref<128xi32, #tpu.memory_space<hbm>>) dst(%arg9 : memref<128xi32, #tpu.memory_space<vmem>>)
      tpu.yield
    }) : () -> ()
    %dma_start3A = arith.constant 0 : i32
    %dma_start3A_16 = arith.constant 0 : i32
    %dma_start3A_17 = tpu.memref_slice %arg2[%dma_start3A, %dma_start3A_16] : memref<10000x128xf32, #tpu.memory_space<hbm>> -> memref<10000x128xf32, #tpu.memory_space<hbm>>
    tpu.enqueue_indirect_dma source(%dma_start3A_17 : memref<10000x128xf32, #tpu.memory_space<hbm>>) target(%arg11 : memref<128x128xf32, #tpu.memory_space<vmem>>) offsets(%arg7 : memref<128xi32, #tpu.memory_space<vmem>>) semaphore(%arg16 : memref<!tpu.dma_semaphore, #tpu.memory_space<semaphore_mem>>)
    %add3A_18 = arith.constant 32 : i32
    %add3A_19 = arith.addi %add3A, %add3A_18 : i32
    %lt3A_20 = arith.constant 2500 : i32
    %lt3A_21 = arith.cmpi slt, %add3A_19, %lt3A_20 : i32
    %jit3A_22 = arith.constant 0 : i32
    %select_n3A_23 = arith.select %lt3A_21, %add3A_19, %jit3A_22 : i32
    %mul3A_24 = arith.constant 128 : i32
    %mul3A_25 = arith.muli %select_n3A_23, %mul3A_24 : i32
    %dma_start3A_26 = tpu.memref_slice %arg3[%mul3A_25] : memref<320000xi32, #tpu.memory_space<hbm>> -> memref<128xi32, #tpu.memory_space<hbm>>
    %dma_start3A_27 = tpu.memref_slice %arg3[%mul3A_25] : memref<320000xi32, #tpu.memory_space<hbm>> -> memref<128xi32, #tpu.memory_space<hbm>>
    tpu.enqueue_dma source(%dma_start3A_27 : memref<128xi32, #tpu.memory_space<hbm>>) target(%arg8 : memref<128xi32, #tpu.memory_space<vmem>>) target_semaphore(%arg15 : memref<!tpu.dma_semaphore, #tpu.memory_space<semaphore_mem>>)
    %dma_start3A_28 = tpu.memref_slice %arg4[%mul3A_25] : memref<320000xi32, #tpu.memory_space<hbm>> -> memref<128xi32, #tpu.memory_space<hbm>>
    %dma_start3A_29 = tpu.memref_slice %arg4[%mul3A_25] : memref<320000xi32, #tpu.memory_space<hbm>> -> memref<128xi32, #tpu.memory_space<hbm>>
    tpu.enqueue_dma source(%dma_start3A_29 : memref<128xi32, #tpu.memory_space<hbm>>) target(%arg10 : memref<128xi32, #tpu.memory_space<vmem>>) target_semaphore(%arg15 : memref<!tpu.dma_semaphore, #tpu.memory_space<semaphore_mem>>)
    %scan3A = arith.constant 0 : i32
    %scan3A_30 = arith.constant 0 : i32
    %scan3A_31 = arith.constant 40 : i32
    %scan3A_32 = arith.addi %scan3A_30, %scan3A_31 : i32
    %scan3A_33 = arith.constant 1 : i32
    scf.for %scan3A_46 = %scan3A_30 to %scan3A_32 step %scan3A_33  : i32 {
      %mul3A_47 = arith.constant 2 : i32
      %mul3A_48 = arith.muli %mul3A_47, %scan3A_46 : i32
      %add3A_49 = arith.constant 0 : i32
      %add3A_50 = arith.addi %mul3A_48, %add3A_49 : i32
      %add3A_51 = arith.constant 1 : i32
      %add3A_52 = arith.addi %add3A_50, %add3A_51 : i32
      %lt3A_53 = arith.constant 80 : i32
      %lt3A_54 = arith.cmpi slt, %add3A_52, %lt3A_53 : i32
      %convert_element_type3A_55 = arith.extui %lt3A_54 : i1 to i32
      %cond3A_56 = arith.constant 0 : i32
      %cond3A_57 = arith.cmpi ne, %convert_element_type3A_55, %cond3A_56 : i32
      scf.if %cond3A_57 {
        %add3A_104 = arith.constant 1 : i32
        %add3A_105 = arith.addi %add3A_50, %add3A_104 : i32
        %mul3A_106 = arith.constant 32 : i32
        %mul3A_107 = arith.muli %add3A_105, %mul3A_106 : i32
        %add3A_108 = arith.addi %add3A, %mul3A_107 : i32
        %lt3A_109 = arith.constant 2500 : i32
        %lt3A_110 = arith.cmpi slt, %add3A_108, %lt3A_109 : i32
        %jit3A_111 = arith.constant 0 : i32
        %select_n3A_112 = arith.select %lt3A_110, %add3A_108, %jit3A_111 : i32
        %mul3A_113 = arith.constant 128 : i32
        %mul3A_114 = arith.muli %select_n3A_112, %mul3A_113 : i32
        %dma_wait3A_115 = tpu.memref_slice %arg3[%mul3A_114] : memref<320000xi32, #tpu.memory_space<hbm>> -> memref<128xi32, #tpu.memory_space<hbm>>
        %dma_wait3A_116 = tpu.memref_slice %arg3[%mul3A_114] : memref<320000xi32, #tpu.memory_space<hbm>> -> memref<128xi32, #tpu.memory_space<hbm>>
        tpu.wait_dma2 semaphore(%arg15 : memref<!tpu.dma_semaphore, #tpu.memory_space<semaphore_mem>>) src(%dma_wait3A_116 : memref<128xi32, #tpu.memory_space<hbm>>) dst(%arg8 : memref<128xi32, #tpu.memory_space<vmem>>)
        %dma_wait3A_117 = tpu.memref_slice %arg4[%mul3A_114] : memref<320000xi32, #tpu.memory_space<hbm>> -> memref<128xi32, #tpu.memory_space<hbm>>
        %dma_wait3A_118 = tpu.memref_slice %arg4[%mul3A_114] : memref<320000xi32, #tpu.memory_space<hbm>> -> memref<128xi32, #tpu.memory_space<hbm>>
        tpu.wait_dma2 semaphore(%arg15 : memref<!tpu.dma_semaphore, #tpu.memory_space<semaphore_mem>>) src(%dma_wait3A_118 : memref<128xi32, #tpu.memory_space<hbm>>) dst(%arg10 : memref<128xi32, #tpu.memory_space<vmem>>)
        %dma_start3A_119 = arith.constant 0 : i32
        %dma_start3A_120 = arith.constant 0 : i32
        %dma_start3A_121 = tpu.memref_slice %arg2[%dma_start3A_119, %dma_start3A_120] : memref<10000x128xf32, #tpu.memory_space<hbm>> -> memref<10000x128xf32, #tpu.memory_space<hbm>>
        tpu.enqueue_indirect_dma source(%dma_start3A_121 : memref<10000x128xf32, #tpu.memory_space<hbm>>) target(%arg12 : memref<128x128xf32, #tpu.memory_space<vmem>>) offsets(%arg8 : memref<128xi32, #tpu.memory_space<vmem>>) semaphore(%arg17 : memref<!tpu.dma_semaphore, #tpu.memory_space<semaphore_mem>>)
      } else {
      }
      %dma_wait3A = arith.constant 0 : i32
      %dma_wait3A_58 = arith.constant 0 : i32
      %dma_wait3A_59 = tpu.memref_slice %arg2[%dma_wait3A, %dma_wait3A_58] : memref<10000x128xf32, #tpu.memory_space<hbm>> -> memref<10000x128xf32, #tpu.memory_space<hbm>>
      tpu.wait_indirect_dma semaphore(%arg16 : memref<!tpu.dma_semaphore, #tpu.memory_space<semaphore_mem>>) src(%dma_wait3A_59 : memref<10000x128xf32, #tpu.memory_space<hbm>>) dst(%arg11 : memref<128x128xf32, #tpu.memory_space<vmem>>)
      %mul3A_60 = arith.constant 32 : i32
      %mul3A_61 = arith.muli %add3A_50, %mul3A_60 : i32
      %add3A_62 = arith.addi %add3A, %mul3A_61 : i32
      %lt3A_63 = arith.constant 2500 : i32
      %lt3A_64 = arith.cmpi slt, %add3A_62, %lt3A_63 : i32
      %convert_element_type3A_65 = arith.extui %lt3A_64 : i1 to i32
      %cond3A_66 = arith.constant 0 : i32
      %cond3A_67 = arith.cmpi ne, %convert_element_type3A_65, %cond3A_66 : i32
      scf.if %cond3A_67 {
        "tpu.region"() ({
          %run_scoped3A = tpu.sem_alloc : memref<!tpu.dma_semaphore, #tpu.memory_space<semaphore_mem>>
          %dma_start3A_104 = arith.constant 0 : i32
          %dma_start3A_105 = arith.constant 0 : i32
          %dma_start3A_106 = tpu.memref_slice %arg13[%dma_start3A_104, %dma_start3A_105] : memref<10000x128xf32, #tpu.memory_space<vmem_shared>> -> memref<10000x128xf32, #tpu.memory_space<vmem_shared>>
          tpu.enqueue_indirect_dma source(%arg11 : memref<128x128xf32, #tpu.memory_space<vmem>>) target(%dma_start3A_106 : memref<10000x128xf32, #tpu.memory_space<vmem_shared>>) offsets(%arg9 : memref<128xi32, #tpu.memory_space<vmem>>) semaphore(%run_scoped3A : memref<!tpu.dma_semaphore, #tpu.memory_space<semaphore_mem>>) {add = true}
          %dma_wait3A_107 = arith.constant 0 : i32
          %dma_wait3A_108 = arith.constant 0 : i32
          %dma_wait3A_109 = tpu.memref_slice %arg13[%dma_wait3A_107, %dma_wait3A_108] : memref<10000x128xf32, #tpu.memory_space<vmem_shared>> -> memref<10000x128xf32, #tpu.memory_space<vmem_shared>>
          tpu.wait_indirect_dma semaphore(%run_scoped3A : memref<!tpu.dma_semaphore, #tpu.memory_space<semaphore_mem>>) src(%arg11 : memref<128x128xf32, #tpu.memory_space<vmem>>) dst(%dma_wait3A_109 : memref<10000x128xf32, #tpu.memory_space<vmem_shared>>)
          tpu.yield
        }) : () -> ()
      } else {
      }
      %add3A_68 = arith.constant 2 : i32
      %add3A_69 = arith.addi %add3A_50, %add3A_68 : i32
      %lt3A_70 = arith.constant 80 : i32
      %lt3A_71 = arith.cmpi slt, %add3A_69, %lt3A_70 : i32
      %convert_element_type3A_72 = arith.extui %lt3A_71 : i1 to i32
      %cond3A_73 = arith.constant 0 : i32
      %cond3A_74 = arith.cmpi ne, %convert_element_type3A_72, %cond3A_73 : i32
      scf.if %cond3A_74 {
        %add3A_104 = arith.constant 2 : i32
        %add3A_105 = arith.addi %add3A_50, %add3A_104 : i32
        %mul3A_106 = arith.constant 32 : i32
        %mul3A_107 = arith.muli %add3A_105, %mul3A_106 : i32
        %add3A_108 = arith.addi %add3A, %mul3A_107 : i32
        %lt3A_109 = arith.constant 2500 : i32
        %lt3A_110 = arith.cmpi slt, %add3A_108, %lt3A_109 : i32
        %jit3A_111 = arith.constant 0 : i32
        %select_n3A_112 = arith.select %lt3A_110, %add3A_108, %jit3A_111 : i32
        %mul3A_113 = arith.constant 128 : i32
        %mul3A_114 = arith.muli %select_n3A_112, %mul3A_113 : i32
        %dma_start3A_115 = tpu.memref_slice %arg3[%mul3A_114] : memref<320000xi32, #tpu.memory_space<hbm>> -> memref<128xi32, #tpu.memory_space<hbm>>
        %dma_start3A_116 = tpu.memref_slice %arg3[%mul3A_114] : memref<320000xi32, #tpu.memory_space<hbm>> -> memref<128xi32, #tpu.memory_space<hbm>>
        tpu.enqueue_dma source(%dma_start3A_116 : memref<128xi32, #tpu.memory_space<hbm>>) target(%arg7 : memref<128xi32, #tpu.memory_space<vmem>>) target_semaphore(%arg14 : memref<!tpu.dma_semaphore, #tpu.memory_space<semaphore_mem>>)
        %dma_start3A_117 = tpu.memref_slice %arg4[%mul3A_114] : memref<320000xi32, #tpu.memory_space<hbm>> -> memref<128xi32, #tpu.memory_space<hbm>>
        %dma_start3A_118 = tpu.memref_slice %arg4[%mul3A_114] : memref<320000xi32, #tpu.memory_space<hbm>> -> memref<128xi32, #tpu.memory_space<hbm>>
        tpu.enqueue_dma source(%dma_start3A_118 : memref<128xi32, #tpu.memory_space<hbm>>) target(%arg9 : memref<128xi32, #tpu.memory_space<vmem>>) target_semaphore(%arg14 : memref<!tpu.dma_semaphore, #tpu.memory_space<semaphore_mem>>)
      } else {
      }
      %mul3A_75 = arith.constant 2 : i32
      %mul3A_76 = arith.muli %mul3A_75, %scan3A_46 : i32
      %add3A_77 = arith.constant 1 : i32
      %add3A_78 = arith.addi %mul3A_76, %add3A_77 : i32
      %add3A_79 = arith.constant 1 : i32
      %add3A_80 = arith.addi %add3A_78, %add3A_79 : i32
      %lt3A_81 = arith.constant 80 : i32
      %lt3A_82 = arith.cmpi slt, %add3A_80, %lt3A_81 : i32
      %convert_element_type3A_83 = arith.extui %lt3A_82 : i1 to i32
      %cond3A_84 = arith.constant 0 : i32
      %cond3A_85 = arith.cmpi ne, %convert_element_type3A_83, %cond3A_84 : i32
      scf.if %cond3A_85 {
        %add3A_104 = arith.constant 1 : i32
        %add3A_105 = arith.addi %add3A_78, %add3A_104 : i32
        %mul3A_106 = arith.constant 32 : i32
        %mul3A_107 = arith.muli %add3A_105, %mul3A_106 : i32
        %add3A_108 = arith.addi %add3A, %mul3A_107 : i32
        %lt3A_109 = arith.constant 2500 : i32
        %lt3A_110 = arith.cmpi slt, %add3A_108, %lt3A_109 : i32
        %jit3A_111 = arith.constant 0 : i32
        %select_n3A_112 = arith.select %lt3A_110, %add3A_108, %jit3A_111 : i32
        %mul3A_113 = arith.constant 128 : i32
        %mul3A_114 = arith.muli %select_n3A_112, %mul3A_113 : i32
        %dma_wait3A_115 = tpu.memref_slice %arg3[%mul3A_114] : memref<320000xi32, #tpu.memory_space<hbm>> -> memref<128xi32, #tpu.memory_space<hbm>>
        %dma_wait3A_116 = tpu.memref_slice %arg3[%mul3A_114] : memref<320000xi32, #tpu.memory_space<hbm>> -> memref<128xi32, #tpu.memory_space<hbm>>
        tpu.wait_dma2 semaphore(%arg14 : memref<!tpu.dma_semaphore, #tpu.memory_space<semaphore_mem>>) src(%dma_wait3A_116 : memref<128xi32, #tpu.memory_space<hbm>>) dst(%arg7 : memref<128xi32, #tpu.memory_space<vmem>>)
        %dma_wait3A_117 = tpu.memref_slice %arg4[%mul3A_114] : memref<320000xi32, #tpu.memory_space<hbm>> -> memref<128xi32, #tpu.memory_space<hbm>>
        %dma_wait3A_118 = tpu.memref_slice %arg4[%mul3A_114] : memref<320000xi32, #tpu.memory_space<hbm>> -> memref<128xi32, #tpu.memory_space<hbm>>
        tpu.wait_dma2 semaphore(%arg14 : memref<!tpu.dma_semaphore, #tpu.memory_space<semaphore_mem>>) src(%dma_wait3A_118 : memref<128xi32, #tpu.memory_space<hbm>>) dst(%arg9 : memref<128xi32, #tpu.memory_space<vmem>>)
        %dma_start3A_119 = arith.constant 0 : i32
        %dma_start3A_120 = arith.constant 0 : i32
        %dma_start3A_121 = tpu.memref_slice %arg2[%dma_start3A_119, %dma_start3A_120] : memref<10000x128xf32, #tpu.memory_space<hbm>> -> memref<10000x128xf32, #tpu.memory_space<hbm>>
        tpu.enqueue_indirect_dma source(%dma_start3A_121 : memref<10000x128xf32, #tpu.memory_space<hbm>>) target(%arg11 : memref<128x128xf32, #tpu.memory_space<vmem>>) offsets(%arg7 : memref<128xi32, #tpu.memory_space<vmem>>) semaphore(%arg16 : memref<!tpu.dma_semaphore, #tpu.memory_space<semaphore_mem>>)
      } else {
      }
      %dma_wait3A_86 = arith.constant 0 : i32
      %dma_wait3A_87 = arith.constant 0 : i32
      %dma_wait3A_88 = tpu.memref_slice %arg2[%dma_wait3A_86, %dma_wait3A_87] : memref<10000x128xf32, #tpu.memory_space<hbm>> -> memref<10000x128xf32, #tpu.memory_space<hbm>>
      tpu.wait_indirect_dma semaphore(%arg17 : memref<!tpu.dma_semaphore, #tpu.memory_space<semaphore_mem>>) src(%dma_wait3A_88 : memref<10000x128xf32, #tpu.memory_space<hbm>>) dst(%arg12 : memref<128x128xf32, #tpu.memory_space<vmem>>)
      %mul3A_89 = arith.constant 32 : i32
      %mul3A_90 = arith.muli %add3A_78, %mul3A_89 : i32
      %add3A_91 = arith.addi %add3A, %mul3A_90 : i32
      %lt3A_92 = arith.constant 2500 : i32
      %lt3A_93 = arith.cmpi slt, %add3A_91, %lt3A_92 : i32
      %convert_element_type3A_94 = arith.extui %lt3A_93 : i1 to i32
      %cond3A_95 = arith.constant 0 : i32
      %cond3A_96 = arith.cmpi ne, %convert_element_type3A_94, %cond3A_95 : i32
      scf.if %cond3A_96 {
        "tpu.region"() ({
          %run_scoped3A = tpu.sem_alloc : memref<!tpu.dma_semaphore, #tpu.memory_space<semaphore_mem>>
          %dma_start3A_104 = arith.constant 0 : i32
          %dma_start3A_105 = arith.constant 0 : i32
          %dma_start3A_106 = tpu.memref_slice %arg13[%dma_start3A_104, %dma_start3A_105] : memref<10000x128xf32, #tpu.memory_space<vmem_shared>> -> memref<10000x128xf32, #tpu.memory_space<vmem_shared>>
          tpu.enqueue_indirect_dma source(%arg12 : memref<128x128xf32, #tpu.memory_space<vmem>>) target(%dma_start3A_106 : memref<10000x128xf32, #tpu.memory_space<vmem_shared>>) offsets(%arg10 : memref<128xi32, #tpu.memory_space<vmem>>) semaphore(%run_scoped3A : memref<!tpu.dma_semaphore, #tpu.memory_space<semaphore_mem>>) {add = true}
          %dma_wait3A_107 = arith.constant 0 : i32
          %dma_wait3A_108 = arith.constant 0 : i32
          %dma_wait3A_109 = tpu.memref_slice %arg13[%dma_wait3A_107, %dma_wait3A_108] : memref<10000x128xf32, #tpu.memory_space<vmem_shared>> -> memref<10000x128xf32, #tpu.memory_space<vmem_shared>>
          tpu.wait_indirect_dma semaphore(%run_scoped3A : memref<!tpu.dma_semaphore, #tpu.memory_space<semaphore_mem>>) src(%arg12 : memref<128x128xf32, #tpu.memory_space<vmem>>) dst(%dma_wait3A_109 : memref<10000x128xf32, #tpu.memory_space<vmem_shared>>)
          tpu.yield
        }) : () -> ()
      } else {
      }
      %add3A_97 = arith.constant 2 : i32
      %add3A_98 = arith.addi %add3A_78, %add3A_97 : i32
      %lt3A_99 = arith.constant 80 : i32
      %lt3A_100 = arith.cmpi slt, %add3A_98, %lt3A_99 : i32
      %convert_element_type3A_101 = arith.extui %lt3A_100 : i1 to i32
      %cond3A_102 = arith.constant 0 : i32
      %cond3A_103 = arith.cmpi ne, %convert_element_type3A_101, %cond3A_102 : i32
      scf.if %cond3A_103 {
        %add3A_104 = arith.constant 2 : i32
        %add3A_105 = arith.addi %add3A_78, %add3A_104 : i32
        %mul3A_106 = arith.constant 32 : i32
        %mul3A_107 = arith.muli %add3A_105, %mul3A_106 : i32
        %add3A_108 = arith.addi %add3A, %mul3A_107 : i32
        %lt3A_109 = arith.constant 2500 : i32
        %lt3A_110 = arith.cmpi slt, %add3A_108, %lt3A_109 : i32
        %jit3A_111 = arith.constant 0 : i32
        %select_n3A_112 = arith.select %lt3A_110, %add3A_108, %jit3A_111 : i32
        %mul3A_113 = arith.constant 128 : i32
        %mul3A_114 = arith.muli %select_n3A_112, %mul3A_113 : i32
        %dma_start3A_115 = tpu.memref_slice %arg3[%mul3A_114] : memref<320000xi32, #tpu.memory_space<hbm>> -> memref<128xi32, #tpu.memory_space<hbm>>
        %dma_start3A_116 = tpu.memref_slice %arg3[%mul3A_114] : memref<320000xi32, #tpu.memory_space<hbm>> -> memref<128xi32, #tpu.memory_space<hbm>>
        tpu.enqueue_dma source(%dma_start3A_116 : memref<128xi32, #tpu.memory_space<hbm>>) target(%arg8 : memref<128xi32, #tpu.memory_space<vmem>>) target_semaphore(%arg15 : memref<!tpu.dma_semaphore, #tpu.memory_space<semaphore_mem>>)
        %dma_start3A_117 = tpu.memref_slice %arg4[%mul3A_114] : memref<320000xi32, #tpu.memory_space<hbm>> -> memref<128xi32, #tpu.memory_space<hbm>>
        %dma_start3A_118 = tpu.memref_slice %arg4[%mul3A_114] : memref<320000xi32, #tpu.memory_space<hbm>> -> memref<128xi32, #tpu.memory_space<hbm>>
        tpu.enqueue_dma source(%dma_start3A_118 : memref<128xi32, #tpu.memory_space<hbm>>) target(%arg10 : memref<128xi32, #tpu.memory_space<vmem>>) target_semaphore(%arg15 : memref<!tpu.dma_semaphore, #tpu.memory_space<semaphore_mem>>)
      } else {
      }
    }
    %scan3A_34 = arith.constant 40 : i32
    %barrier3A_35 = arith.constant 0 : index
    tpu.barrier barrier_id(%barrier3A_35)
    %lt3A_36 = arith.constant 15 : i32
    %lt3A_37 = arith.cmpi slt, %arg1, %lt3A_36 : i32
    %convert_element_type3A_38 = arith.extui %lt3A_37 : i1 to i32
    %cond3A_39 = arith.constant 0 : i32
    %cond3A_40 = arith.cmpi ne, %convert_element_type3A_38, %cond3A_39 : i32
    scf.if %cond3A_40 {
      %mul3A_46 = arith.constant 632 : i32
      %mul3A_47 = arith.muli %arg1, %mul3A_46 : i32
      %mul3A_48 = arith.constant 632 : i32
      %mul3A_49 = arith.muli %arg1, %mul3A_48 : i32
      "tpu.region"() ({
        %run_scoped3A = tpu.sem_alloc : memref<!tpu.dma_semaphore, #tpu.memory_space<semaphore_mem>>
        %dma_start3A_50 = arith.constant 0 : i32
        %dma_start3A_51 = tpu.memref_slice %arg6[%arg0, %mul3A_49, %dma_start3A_50] : memref<2x10000x128xf32, #tpu.memory_space<hbm>> -> memref<1x632x128xf32, #tpu.memory_space<hbm>>
        %dma_start3A_52 = tpu.memref_squeeze %dma_start3A_51 : memref<1x632x128xf32, #tpu.memory_space<hbm>> -> memref<632x128xf32, #tpu.memory_space<hbm>>
        %dma_start3A_53 = arith.constant 0 : i32
        %dma_start3A_54 = tpu.memref_slice %arg13[%mul3A_47, %dma_start3A_53] : memref<10000x128xf32, #tpu.memory_space<vmem_shared>> -> memref<632x128xf32, #tpu.memory_space<vmem_shared>>
        tpu.enqueue_dma source(%dma_start3A_54 : memref<632x128xf32, #tpu.memory_space<vmem_shared>>) target(%dma_start3A_52 : memref<632x128xf32, #tpu.memory_space<hbm>>) target_semaphore(%run_scoped3A : memref<!tpu.dma_semaphore, #tpu.memory_space<semaphore_mem>>)
        %dma_wait3A = arith.constant 0 : i32
        %dma_wait3A_55 = tpu.memref_slice %arg6[%arg0, %mul3A_49, %dma_wait3A] : memref<2x10000x128xf32, #tpu.memory_space<hbm>> -> memref<1x632x128xf32, #tpu.memory_space<hbm>>
        %dma_wait3A_56 = tpu.memref_squeeze %dma_wait3A_55 : memref<1x632x128xf32, #tpu.memory_space<hbm>> -> memref<632x128xf32, #tpu.memory_space<hbm>>
        %dma_wait3A_57 = arith.constant 0 : i32
        %dma_wait3A_58 = tpu.memref_slice %arg13[%mul3A_47, %dma_wait3A_57] : memref<10000x128xf32, #tpu.memory_space<vmem_shared>> -> memref<632x128xf32, #tpu.memory_space<vmem_shared>>
        tpu.wait_dma2 semaphore(%run_scoped3A : memref<!tpu.dma_semaphore, #tpu.memory_space<semaphore_mem>>) src(%dma_wait3A_58 : memref<632x128xf32, #tpu.memory_space<vmem_shared>>) dst(%dma_wait3A_56 : memref<632x128xf32, #tpu.memory_space<hbm>>)
        tpu.yield
      }) : () -> ()
    } else {
    }
    %eq3A_41 = arith.constant 15 : i32
    %eq3A_42 = arith.cmpi eq, %arg1, %eq3A_41 : i32
    %convert_element_type3A_43 = arith.extui %eq3A_42 : i1 to i32
    %cond3A_44 = arith.constant 0 : i32
    %cond3A_45 = arith.cmpi ne, %convert_element_type3A_43, %cond3A_44 : i32
    scf.if %cond3A_45 {
      "tpu.region"() ({
        %run_scoped3A = tpu.sem_alloc : memref<!tpu.dma_semaphore, #tpu.memory_space<semaphore_mem>>
        %dma_start3A_46 = arith.constant 9480 : i32
        %dma_start3A_47 = arith.constant 0 : i32
        %dma_start3A_48 = tpu.memref_slice %arg6[%arg0, %dma_start3A_46, %dma_start3A_47] : memref<2x10000x128xf32, #tpu.memory_space<hbm>> -> memref<1x520x128xf32, #tpu.memory_space<hbm>>
        %dma_start3A_49 = tpu.memref_squeeze %dma_start3A_48 : memref<1x520x128xf32, #tpu.memory_space<hbm>> -> memref<520x128xf32, #tpu.memory_space<hbm>>
        %dma_start3A_50 = arith.constant 9480 : i32
        %dma_start3A_51 = arith.constant 0 : i32
        %dma_start3A_52 = tpu.memref_slice %arg13[%dma_start3A_50, %dma_start3A_51] : memref<10000x128xf32, #tpu.memory_space<vmem_shared>> -> memref<520x128xf32, #tpu.memory_space<vmem_shared>>
        tpu.enqueue_dma source(%dma_start3A_52 : memref<520x128xf32, #tpu.memory_space<vmem_shared>>) target(%dma_start3A_49 : memref<520x128xf32, #tpu.memory_space<hbm>>) target_semaphore(%run_scoped3A : memref<!tpu.dma_semaphore, #tpu.memory_space<semaphore_mem>>)
        %dma_wait3A = arith.constant 9480 : i32
        %dma_wait3A_53 = arith.constant 0 : i32
        %dma_wait3A_54 = tpu.memref_slice %arg6[%arg0, %dma_wait3A, %dma_wait3A_53] : memref<2x10000x128xf32, #tpu.memory_space<hbm>> -> memref<1x520x128xf32, #tpu.memory_space<hbm>>
        %dma_wait3A_55 = tpu.memref_squeeze %dma_wait3A_54 : memref<1x520x128xf32, #tpu.memory_space<hbm>> -> memref<520x128xf32, #tpu.memory_space<hbm>>
        %dma_wait3A_56 = arith.constant 9480 : i32
        %dma_wait3A_57 = arith.constant 0 : i32
        %dma_wait3A_58 = tpu.memref_slice %arg13[%dma_wait3A_56, %dma_wait3A_57] : memref<10000x128xf32, #tpu.memory_space<vmem_shared>> -> memref<520x128xf32, #tpu.memory_space<vmem_shared>>
        tpu.wait_dma2 semaphore(%run_scoped3A : memref<!tpu.dma_semaphore, #tpu.memory_space<semaphore_mem>>) src(%dma_wait3A_58 : memref<520x128xf32, #tpu.memory_space<vmem_shared>>) dst(%dma_wait3A_55 : memref<520x128xf32, #tpu.memory_space<hbm>>)
        tpu.yield
      }) : () -> ()
    } else {
    }
    return
  }
}

#map = affine_map<(d0, d1) -> (0, 0)>
#map1 = affine_map<(d0, d1) -> (0)>
#map2 = affine_map<(d0, d1) -> (0, 0, 0)>
module attributes {stable_mosaic.version = 14 : i64} {
  func.func @_segsum_body(%arg0: i32, %arg1: i32, %arg2: memref<10000x128xf32, #tpu.memory_space<hbm>>, %arg3: memref<320000xi32, #tpu.memory_space<hbm>>, %arg4: memref<320000xi32, #tpu.memory_space<hbm>>, %arg5: memref<10000x128xf32, #tpu.memory_space<hbm>>, %arg6: memref<2x10000x128xf32, #tpu.memory_space<hbm>>, %arg7: memref<128xi32, #tpu.memory_space<vmem>>, %arg8: memref<128xi32, #tpu.memory_space<vmem>>, %arg9: memref<128xi32, #tpu.memory_space<vmem>>, %arg10: memref<128xi32, #tpu.memory_space<vmem>>, %arg11: memref<128x128xf32, #tpu.memory_space<vmem>>, %arg12: memref<128x128xf32, #tpu.memory_space<vmem>>, %arg13: memref<10000x128xf32, #tpu.memory_space<vmem_shared>>, %arg14: memref<!tpu.dma_semaphore, #tpu.memory_space<semaphore_mem>>, %arg15: memref<!tpu.dma_semaphore, #tpu.memory_space<semaphore_mem>>, %arg16: memref<!tpu.dma_semaphore, #tpu.memory_space<semaphore_mem>>, %arg17: memref<!tpu.dma_semaphore, #tpu.memory_space<semaphore_mem>>) attributes {dimension_semantics = [#tpu.dimension_semantics<core_parallel>, #tpu.dimension_semantics<subcore_parallel>], iteration_bounds = array<i64: 2, 16>, scalar_prefetch = 0 : i64, scratch_operands = 11 : i64, tpu.core_type = #tpu.core_type<sc_vector_subcore>, window_params = [{transform_indices = #map}, {transform_indices = #map1}, {transform_indices = #map1}, {transform_indices = #map}, {transform_indices = #map2}]} {
    %mul3A = arith.constant 2 : i32
    %mul3A_0 = arith.muli %arg1, %mul3A : i32
    %add3A = arith.addi %mul3A_0, %arg0 : i32
    %eq3A = arith.constant 0 : i32
    %eq3A_1 = arith.cmpi eq, %arg1, %eq3A : i32
    %convert_element_type3A = arith.extui %eq3A_1 : i1 to i32
    %cond3A = arith.constant 0 : i32
    %cond3A_2 = arith.cmpi ne, %convert_element_type3A, %cond3A : i32
    scf.if %cond3A_2 {
      "tpu.region"() ({
        %run_scoped3A = tpu.sem_alloc : memref<!tpu.dma_semaphore, #tpu.memory_space<semaphore_mem>>
        tpu.enqueue_dma source(%arg5 : memref<10000x128xf32, #tpu.memory_space<hbm>>) target(%arg13 : memref<10000x128xf32, #tpu.memory_space<vmem_shared>>) target_semaphore(%run_scoped3A : memref<!tpu.dma_semaphore, #tpu.memory_space<semaphore_mem>>)
        tpu.wait_dma2 semaphore(%run_scoped3A : memref<!tpu.dma_semaphore, #tpu.memory_space<semaphore_mem>>) src(%arg5 : memref<10000x128xf32, #tpu.memory_space<hbm>>) dst(%arg13 : memref<10000x128xf32, #tpu.memory_space<vmem_shared>>)
        tpu.yield
      }) : () -> ()
    } else {
    }
    %barrier3A = arith.constant 0 : index
    tpu.barrier barrier_id(%barrier3A)
    %add3A_3 = arith.constant 0 : i32
    %add3A_4 = arith.addi %add3A, %add3A_3 : i32
    %lt3A = arith.constant 2500 : i32
    %lt3A_5 = arith.cmpi slt, %add3A_4, %lt3A : i32
    %jit3A = arith.constant 0 : i32
    %select_n3A = arith.select %lt3A_5, %add3A_4, %jit3A : i32
    %mul3A_6 = arith.constant 128 : i32
    %mul3A_7 = arith.muli %select_n3A, %mul3A_6 : i32
    "tpu.region"() ({
      %run_scoped3A = tpu.sem_alloc : memref<!tpu.dma_semaphore, #tpu.memory_space<semaphore_mem>>
      %dma_start3A_46 = tpu.memref_slice %arg3[%mul3A_7] : memref<320000xi32, #tpu.memory_space<hbm>> -> memref<128xi32, #tpu.memory_space<hbm>>
      %dma_start3A_47 = tpu.memref_slice %arg3[%mul3A_7] : memref<320000xi32, #tpu.memory_space<hbm>> -> memref<128xi32, #tpu.memory_space<hbm>>
      tpu.enqueue_dma source(%dma_start3A_47 : memref<128xi32, #tpu.memory_space<hbm>>) target(%arg7 : memref<128xi32, #tpu.memory_space<vmem>>) target_semaphore(%run_scoped3A : memref<!tpu.dma_semaphore, #tpu.memory_space<semaphore_mem>>)
      %dma_wait3A = tpu.memref_slice %arg3[%mul3A_7] : memref<320000xi32, #tpu.memory_space<hbm>> -> memref<128xi32, #tpu.memory_space<hbm>>
      %dma_wait3A_48 = tpu.memref_slice %arg3[%mul3A_7] : memref<320000xi32, #tpu.memory_space<hbm>> -> memref<128xi32, #tpu.memory_space<hbm>>
      tpu.wait_dma2 semaphore(%run_scoped3A : memref<!tpu.dma_semaphore, #tpu.memory_space<semaphore_mem>>) src(%dma_wait3A_48 : memref<128xi32, #tpu.memory_space<hbm>>) dst(%arg7 : memref<128xi32, #tpu.memory_space<vmem>>)
      tpu.yield
    }) : () -> ()
    %add3A_8 = arith.constant 0 : i32
    %add3A_9 = arith.addi %add3A, %add3A_8 : i32
    %lt3A_10 = arith.constant 2500 : i32
    %lt3A_11 = arith.cmpi slt, %add3A_9, %lt3A_10 : i32
    %jit3A_12 = arith.constant 0 : i32
    %select_n3A_13 = arith.select %lt3A_11, %add3A_9, %jit3A_12 : i32
    %mul3A_14 = arith.constant 128 : i32
    %mul3A_15 = arith.muli %select_n3A_13, %mul3A_14 : i32
    "tpu.region"() ({
      %run_scoped3A = tpu.sem_alloc : memref<!tpu.dma_semaphore, #tpu.memory_space<semaphore_mem>>
      %dma_start3A_46 = tpu.memref_slice %arg4[%mul3A_15] : memref<320000xi32, #tpu.memory_space<hbm>> -> memref<128xi32, #tpu.memory_space<hbm>>
      %dma_start3A_47 = tpu.memref_slice %arg4[%mul3A_15] : memref<320000xi32, #tpu.memory_space<hbm>> -> memref<128xi32, #tpu.memory_space<hbm>>
      tpu.enqueue_dma source(%dma_start3A_47 : memref<128xi32, #tpu.memory_space<hbm>>) target(%arg9 : memref<128xi32, #tpu.memory_space<vmem>>) target_semaphore(%run_scoped3A : memref<!tpu.dma_semaphore, #tpu.memory_space<semaphore_mem>>)
      %dma_wait3A = tpu.memref_slice %arg4[%mul3A_15] : memref<320000xi32, #tpu.memory_space<hbm>> -> memref<128xi32, #tpu.memory_space<hbm>>
      %dma_wait3A_48 = tpu.memref_slice %arg4[%mul3A_15] : memref<320000xi32, #tpu.memory_space<hbm>> -> memref<128xi32, #tpu.memory_space<hbm>>
      tpu.wait_dma2 semaphore(%run_scoped3A : memref<!tpu.dma_semaphore, #tpu.memory_space<semaphore_mem>>) src(%dma_wait3A_48 : memref<128xi32, #tpu.memory_space<hbm>>) dst(%arg9 : memref<128xi32, #tpu.memory_space<vmem>>)
      tpu.yield
    }) : () -> ()
    %dma_start3A = arith.constant 0 : i32
    %dma_start3A_16 = arith.constant 0 : i32
    %dma_start3A_17 = tpu.memref_slice %arg2[%dma_start3A, %dma_start3A_16] : memref<10000x128xf32, #tpu.memory_space<hbm>> -> memref<10000x128xf32, #tpu.memory_space<hbm>>
    tpu.enqueue_indirect_dma source(%dma_start3A_17 : memref<10000x128xf32, #tpu.memory_space<hbm>>) target(%arg11 : memref<128x128xf32, #tpu.memory_space<vmem>>) offsets(%arg7 : memref<128xi32, #tpu.memory_space<vmem>>) semaphore(%arg16 : memref<!tpu.dma_semaphore, #tpu.memory_space<semaphore_mem>>)
    %add3A_18 = arith.constant 32 : i32
    %add3A_19 = arith.addi %add3A, %add3A_18 : i32
    %lt3A_20 = arith.constant 2500 : i32
    %lt3A_21 = arith.cmpi slt, %add3A_19, %lt3A_20 : i32
    %jit3A_22 = arith.constant 0 : i32
    %select_n3A_23 = arith.select %lt3A_21, %add3A_19, %jit3A_22 : i32
    %mul3A_24 = arith.constant 128 : i32
    %mul3A_25 = arith.muli %select_n3A_23, %mul3A_24 : i32
    %dma_start3A_26 = tpu.memref_slice %arg3[%mul3A_25] : memref<320000xi32, #tpu.memory_space<hbm>> -> memref<128xi32, #tpu.memory_space<hbm>>
    %dma_start3A_27 = tpu.memref_slice %arg3[%mul3A_25] : memref<320000xi32, #tpu.memory_space<hbm>> -> memref<128xi32, #tpu.memory_space<hbm>>
    tpu.enqueue_dma source(%dma_start3A_27 : memref<128xi32, #tpu.memory_space<hbm>>) target(%arg8 : memref<128xi32, #tpu.memory_space<vmem>>) target_semaphore(%arg15 : memref<!tpu.dma_semaphore, #tpu.memory_space<semaphore_mem>>)
    %dma_start3A_28 = tpu.memref_slice %arg4[%mul3A_25] : memref<320000xi32, #tpu.memory_space<hbm>> -> memref<128xi32, #tpu.memory_space<hbm>>
    %dma_start3A_29 = tpu.memref_slice %arg4[%mul3A_25] : memref<320000xi32, #tpu.memory_space<hbm>> -> memref<128xi32, #tpu.memory_space<hbm>>
    tpu.enqueue_dma source(%dma_start3A_29 : memref<128xi32, #tpu.memory_space<hbm>>) target(%arg10 : memref<128xi32, #tpu.memory_space<vmem>>) target_semaphore(%arg15 : memref<!tpu.dma_semaphore, #tpu.memory_space<semaphore_mem>>)
    %scan3A = arith.constant 0 : i32
    %scan3A_30 = arith.constant 0 : i32
    %scan3A_31 = arith.constant 40 : i32
    %scan3A_32 = arith.addi %scan3A_30, %scan3A_31 : i32
    %scan3A_33 = arith.constant 1 : i32
    scf.for %scan3A_46 = %scan3A_30 to %scan3A_32 step %scan3A_33  : i32 {
      %mul3A_47 = arith.constant 2 : i32
      %mul3A_48 = arith.muli %mul3A_47, %scan3A_46 : i32
      %add3A_49 = arith.constant 0 : i32
      %add3A_50 = arith.addi %mul3A_48, %add3A_49 : i32
      %add3A_51 = arith.constant 1 : i32
      %add3A_52 = arith.addi %add3A_50, %add3A_51 : i32
      %lt3A_53 = arith.constant 80 : i32
      %lt3A_54 = arith.cmpi slt, %add3A_52, %lt3A_53 : i32
      %convert_element_type3A_55 = arith.extui %lt3A_54 : i1 to i32
      %cond3A_56 = arith.constant 0 : i32
      %cond3A_57 = arith.cmpi ne, %convert_element_type3A_55, %cond3A_56 : i32
      scf.if %cond3A_57 {
        %add3A_104 = arith.constant 1 : i32
        %add3A_105 = arith.addi %add3A_50, %add3A_104 : i32
        %mul3A_106 = arith.constant 32 : i32
        %mul3A_107 = arith.muli %add3A_105, %mul3A_106 : i32
        %add3A_108 = arith.addi %add3A, %mul3A_107 : i32
        %lt3A_109 = arith.constant 2500 : i32
        %lt3A_110 = arith.cmpi slt, %add3A_108, %lt3A_109 : i32
        %jit3A_111 = arith.constant 0 : i32
        %select_n3A_112 = arith.select %lt3A_110, %add3A_108, %jit3A_111 : i32
        %mul3A_113 = arith.constant 128 : i32
        %mul3A_114 = arith.muli %select_n3A_112, %mul3A_113 : i32
        %dma_wait3A_115 = tpu.memref_slice %arg3[%mul3A_114] : memref<320000xi32, #tpu.memory_space<hbm>> -> memref<128xi32, #tpu.memory_space<hbm>>
        %dma_wait3A_116 = tpu.memref_slice %arg3[%mul3A_114] : memref<320000xi32, #tpu.memory_space<hbm>> -> memref<128xi32, #tpu.memory_space<hbm>>
        tpu.wait_dma2 semaphore(%arg15 : memref<!tpu.dma_semaphore, #tpu.memory_space<semaphore_mem>>) src(%dma_wait3A_116 : memref<128xi32, #tpu.memory_space<hbm>>) dst(%arg8 : memref<128xi32, #tpu.memory_space<vmem>>)
        %dma_wait3A_117 = tpu.memref_slice %arg4[%mul3A_114] : memref<320000xi32, #tpu.memory_space<hbm>> -> memref<128xi32, #tpu.memory_space<hbm>>
        %dma_wait3A_118 = tpu.memref_slice %arg4[%mul3A_114] : memref<320000xi32, #tpu.memory_space<hbm>> -> memref<128xi32, #tpu.memory_space<hbm>>
        tpu.wait_dma2 semaphore(%arg15 : memref<!tpu.dma_semaphore, #tpu.memory_space<semaphore_mem>>) src(%dma_wait3A_118 : memref<128xi32, #tpu.memory_space<hbm>>) dst(%arg10 : memref<128xi32, #tpu.memory_space<vmem>>)
        %dma_start3A_119 = arith.constant 0 : i32
        %dma_start3A_120 = arith.constant 0 : i32
        %dma_start3A_121 = tpu.memref_slice %arg2[%dma_start3A_119, %dma_start3A_120] : memref<10000x128xf32, #tpu.memory_space<hbm>> -> memref<10000x128xf32, #tpu.memory_space<hbm>>
        tpu.enqueue_indirect_dma source(%dma_start3A_121 : memref<10000x128xf32, #tpu.memory_space<hbm>>) target(%arg12 : memref<128x128xf32, #tpu.memory_space<vmem>>) offsets(%arg8 : memref<128xi32, #tpu.memory_space<vmem>>) semaphore(%arg17 : memref<!tpu.dma_semaphore, #tpu.memory_space<semaphore_mem>>)
      } else {
      }
      %dma_wait3A = arith.constant 0 : i32
      %dma_wait3A_58 = arith.constant 0 : i32
      %dma_wait3A_59 = tpu.memref_slice %arg2[%dma_wait3A, %dma_wait3A_58] : memref<10000x128xf32, #tpu.memory_space<hbm>> -> memref<10000x128xf32, #tpu.memory_space<hbm>>
      tpu.wait_indirect_dma semaphore(%arg16 : memref<!tpu.dma_semaphore, #tpu.memory_space<semaphore_mem>>) src(%dma_wait3A_59 : memref<10000x128xf32, #tpu.memory_space<hbm>>) dst(%arg11 : memref<128x128xf32, #tpu.memory_space<vmem>>)
      %mul3A_60 = arith.constant 32 : i32
      %mul3A_61 = arith.muli %add3A_50, %mul3A_60 : i32
      %add3A_62 = arith.addi %add3A, %mul3A_61 : i32
      %lt3A_63 = arith.constant 2500 : i32
      %lt3A_64 = arith.cmpi slt, %add3A_62, %lt3A_63 : i32
      %convert_element_type3A_65 = arith.extui %lt3A_64 : i1 to i32
      %cond3A_66 = arith.constant 0 : i32
      %cond3A_67 = arith.cmpi ne, %convert_element_type3A_65, %cond3A_66 : i32
      scf.if %cond3A_67 {
        "tpu.region"() ({
          %run_scoped3A = tpu.sem_alloc : memref<!tpu.dma_semaphore, #tpu.memory_space<semaphore_mem>>
          %dma_start3A_104 = arith.constant 0 : i32
          %dma_start3A_105 = arith.constant 0 : i32
          %dma_start3A_106 = tpu.memref_slice %arg13[%dma_start3A_104, %dma_start3A_105] : memref<10000x128xf32, #tpu.memory_space<vmem_shared>> -> memref<10000x128xf32, #tpu.memory_space<vmem_shared>>
          tpu.enqueue_indirect_dma source(%arg11 : memref<128x128xf32, #tpu.memory_space<vmem>>) target(%dma_start3A_106 : memref<10000x128xf32, #tpu.memory_space<vmem_shared>>) offsets(%arg9 : memref<128xi32, #tpu.memory_space<vmem>>) semaphore(%run_scoped3A : memref<!tpu.dma_semaphore, #tpu.memory_space<semaphore_mem>>) {add = true}
          %dma_wait3A_107 = arith.constant 0 : i32
          %dma_wait3A_108 = arith.constant 0 : i32
          %dma_wait3A_109 = tpu.memref_slice %arg13[%dma_wait3A_107, %dma_wait3A_108] : memref<10000x128xf32, #tpu.memory_space<vmem_shared>> -> memref<10000x128xf32, #tpu.memory_space<vmem_shared>>
          tpu.wait_indirect_dma semaphore(%run_scoped3A : memref<!tpu.dma_semaphore, #tpu.memory_space<semaphore_mem>>) src(%arg11 : memref<128x128xf32, #tpu.memory_space<vmem>>) dst(%dma_wait3A_109 : memref<10000x128xf32, #tpu.memory_space<vmem_shared>>)
          tpu.yield
        }) : () -> ()
      } else {
      }
      %add3A_68 = arith.constant 2 : i32
      %add3A_69 = arith.addi %add3A_50, %add3A_68 : i32
      %lt3A_70 = arith.constant 80 : i32
      %lt3A_71 = arith.cmpi slt, %add3A_69, %lt3A_70 : i32
      %convert_element_type3A_72 = arith.extui %lt3A_71 : i1 to i32
      %cond3A_73 = arith.constant 0 : i32
      %cond3A_74 = arith.cmpi ne, %convert_element_type3A_72, %cond3A_73 : i32
      scf.if %cond3A_74 {
        %add3A_104 = arith.constant 2 : i32
        %add3A_105 = arith.addi %add3A_50, %add3A_104 : i32
        %mul3A_106 = arith.constant 32 : i32
        %mul3A_107 = arith.muli %add3A_105, %mul3A_106 : i32
        %add3A_108 = arith.addi %add3A, %mul3A_107 : i32
        %lt3A_109 = arith.constant 2500 : i32
        %lt3A_110 = arith.cmpi slt, %add3A_108, %lt3A_109 : i32
        %jit3A_111 = arith.constant 0 : i32
        %select_n3A_112 = arith.select %lt3A_110, %add3A_108, %jit3A_111 : i32
        %mul3A_113 = arith.constant 128 : i32
        %mul3A_114 = arith.muli %select_n3A_112, %mul3A_113 : i32
        %dma_start3A_115 = tpu.memref_slice %arg3[%mul3A_114] : memref<320000xi32, #tpu.memory_space<hbm>> -> memref<128xi32, #tpu.memory_space<hbm>>
        %dma_start3A_116 = tpu.memref_slice %arg3[%mul3A_114] : memref<320000xi32, #tpu.memory_space<hbm>> -> memref<128xi32, #tpu.memory_space<hbm>>
        tpu.enqueue_dma source(%dma_start3A_116 : memref<128xi32, #tpu.memory_space<hbm>>) target(%arg7 : memref<128xi32, #tpu.memory_space<vmem>>) target_semaphore(%arg14 : memref<!tpu.dma_semaphore, #tpu.memory_space<semaphore_mem>>)
        %dma_start3A_117 = tpu.memref_slice %arg4[%mul3A_114] : memref<320000xi32, #tpu.memory_space<hbm>> -> memref<128xi32, #tpu.memory_space<hbm>>
        %dma_start3A_118 = tpu.memref_slice %arg4[%mul3A_114] : memref<320000xi32, #tpu.memory_space<hbm>> -> memref<128xi32, #tpu.memory_space<hbm>>
        tpu.enqueue_dma source(%dma_start3A_118 : memref<128xi32, #tpu.memory_space<hbm>>) target(%arg9 : memref<128xi32, #tpu.memory_space<vmem>>) target_semaphore(%arg14 : memref<!tpu.dma_semaphore, #tpu.memory_space<semaphore_mem>>)
      } else {
      }
      %mul3A_75 = arith.constant 2 : i32
      %mul3A_76 = arith.muli %mul3A_75, %scan3A_46 : i32
      %add3A_77 = arith.constant 1 : i32
      %add3A_78 = arith.addi %mul3A_76, %add3A_77 : i32
      %add3A_79 = arith.constant 1 : i32
      %add3A_80 = arith.addi %add3A_78, %add3A_79 : i32
      %lt3A_81 = arith.constant 80 : i32
      %lt3A_82 = arith.cmpi slt, %add3A_80, %lt3A_81 : i32
      %convert_element_type3A_83 = arith.extui %lt3A_82 : i1 to i32
      %cond3A_84 = arith.constant 0 : i32
      %cond3A_85 = arith.cmpi ne, %convert_element_type3A_83, %cond3A_84 : i32
      scf.if %cond3A_85 {
        %add3A_104 = arith.constant 1 : i32
        %add3A_105 = arith.addi %add3A_78, %add3A_104 : i32
        %mul3A_106 = arith.constant 32 : i32
        %mul3A_107 = arith.muli %add3A_105, %mul3A_106 : i32
        %add3A_108 = arith.addi %add3A, %mul3A_107 : i32
        %lt3A_109 = arith.constant 2500 : i32
        %lt3A_110 = arith.cmpi slt, %add3A_108, %lt3A_109 : i32
        %jit3A_111 = arith.constant 0 : i32
        %select_n3A_112 = arith.select %lt3A_110, %add3A_108, %jit3A_111 : i32
        %mul3A_113 = arith.constant 128 : i32
        %mul3A_114 = arith.muli %select_n3A_112, %mul3A_113 : i32
        %dma_wait3A_115 = tpu.memref_slice %arg3[%mul3A_114] : memref<320000xi32, #tpu.memory_space<hbm>> -> memref<128xi32, #tpu.memory_space<hbm>>
        %dma_wait3A_116 = tpu.memref_slice %arg3[%mul3A_114] : memref<320000xi32, #tpu.memory_space<hbm>> -> memref<128xi32, #tpu.memory_space<hbm>>
        tpu.wait_dma2 semaphore(%arg14 : memref<!tpu.dma_semaphore, #tpu.memory_space<semaphore_mem>>) src(%dma_wait3A_116 : memref<128xi32, #tpu.memory_space<hbm>>) dst(%arg7 : memref<128xi32, #tpu.memory_space<vmem>>)
        %dma_wait3A_117 = tpu.memref_slice %arg4[%mul3A_114] : memref<320000xi32, #tpu.memory_space<hbm>> -> memref<128xi32, #tpu.memory_space<hbm>>
        %dma_wait3A_118 = tpu.memref_slice %arg4[%mul3A_114] : memref<320000xi32, #tpu.memory_space<hbm>> -> memref<128xi32, #tpu.memory_space<hbm>>
        tpu.wait_dma2 semaphore(%arg14 : memref<!tpu.dma_semaphore, #tpu.memory_space<semaphore_mem>>) src(%dma_wait3A_118 : memref<128xi32, #tpu.memory_space<hbm>>) dst(%arg9 : memref<128xi32, #tpu.memory_space<vmem>>)
        %dma_start3A_119 = arith.constant 0 : i32
        %dma_start3A_120 = arith.constant 0 : i32
        %dma_start3A_121 = tpu.memref_slice %arg2[%dma_start3A_119, %dma_start3A_120] : memref<10000x128xf32, #tpu.memory_space<hbm>> -> memref<10000x128xf32, #tpu.memory_space<hbm>>
        tpu.enqueue_indirect_dma source(%dma_start3A_121 : memref<10000x128xf32, #tpu.memory_space<hbm>>) target(%arg11 : memref<128x128xf32, #tpu.memory_space<vmem>>) offsets(%arg7 : memref<128xi32, #tpu.memory_space<vmem>>) semaphore(%arg16 : memref<!tpu.dma_semaphore, #tpu.memory_space<semaphore_mem>>)
      } else {
      }
      %dma_wait3A_86 = arith.constant 0 : i32
      %dma_wait3A_87 = arith.constant 0 : i32
      %dma_wait3A_88 = tpu.memref_slice %arg2[%dma_wait3A_86, %dma_wait3A_87] : memref<10000x128xf32, #tpu.memory_space<hbm>> -> memref<10000x128xf32, #tpu.memory_space<hbm>>
      tpu.wait_indirect_dma semaphore(%arg17 : memref<!tpu.dma_semaphore, #tpu.memory_space<semaphore_mem>>) src(%dma_wait3A_88 : memref<10000x128xf32, #tpu.memory_space<hbm>>) dst(%arg12 : memref<128x128xf32, #tpu.memory_space<vmem>>)
      %mul3A_89 = arith.constant 32 : i32
      %mul3A_90 = arith.muli %add3A_78, %mul3A_89 : i32
      %add3A_91 = arith.addi %add3A, %mul3A_90 : i32
      %lt3A_92 = arith.constant 2500 : i32
      %lt3A_93 = arith.cmpi slt, %add3A_91, %lt3A_92 : i32
      %convert_element_type3A_94 = arith.extui %lt3A_93 : i1 to i32
      %cond3A_95 = arith.constant 0 : i32
      %cond3A_96 = arith.cmpi ne, %convert_element_type3A_94, %cond3A_95 : i32
      scf.if %cond3A_96 {
        "tpu.region"() ({
          %run_scoped3A = tpu.sem_alloc : memref<!tpu.dma_semaphore, #tpu.memory_space<semaphore_mem>>
          %dma_start3A_104 = arith.constant 0 : i32
          %dma_start3A_105 = arith.constant 0 : i32
          %dma_start3A_106 = tpu.memref_slice %arg13[%dma_start3A_104, %dma_start3A_105] : memref<10000x128xf32, #tpu.memory_space<vmem_shared>> -> memref<10000x128xf32, #tpu.memory_space<vmem_shared>>
          tpu.enqueue_indirect_dma source(%arg12 : memref<128x128xf32, #tpu.memory_space<vmem>>) target(%dma_start3A_106 : memref<10000x128xf32, #tpu.memory_space<vmem_shared>>) offsets(%arg10 : memref<128xi32, #tpu.memory_space<vmem>>) semaphore(%run_scoped3A : memref<!tpu.dma_semaphore, #tpu.memory_space<semaphore_mem>>) {add = true}
          %dma_wait3A_107 = arith.constant 0 : i32
          %dma_wait3A_108 = arith.constant 0 : i32
          %dma_wait3A_109 = tpu.memref_slice %arg13[%dma_wait3A_107, %dma_wait3A_108] : memref<10000x128xf32, #tpu.memory_space<vmem_shared>> -> memref<10000x128xf32, #tpu.memory_space<vmem_shared>>
          tpu.wait_indirect_dma semaphore(%run_scoped3A : memref<!tpu.dma_semaphore, #tpu.memory_space<semaphore_mem>>) src(%arg12 : memref<128x128xf32, #tpu.memory_space<vmem>>) dst(%dma_wait3A_109 : memref<10000x128xf32, #tpu.memory_space<vmem_shared>>)
          tpu.yield
        }) : () -> ()
      } else {
      }
      %add3A_97 = arith.constant 2 : i32
      %add3A_98 = arith.addi %add3A_78, %add3A_97 : i32
      %lt3A_99 = arith.constant 80 : i32
      %lt3A_100 = arith.cmpi slt, %add3A_98, %lt3A_99 : i32
      %convert_element_type3A_101 = arith.extui %lt3A_100 : i1 to i32
      %cond3A_102 = arith.constant 0 : i32
      %cond3A_103 = arith.cmpi ne, %convert_element_type3A_101, %cond3A_102 : i32
      scf.if %cond3A_103 {
        %add3A_104 = arith.constant 2 : i32
        %add3A_105 = arith.addi %add3A_78, %add3A_104 : i32
        %mul3A_106 = arith.constant 32 : i32
        %mul3A_107 = arith.muli %add3A_105, %mul3A_106 : i32
        %add3A_108 = arith.addi %add3A, %mul3A_107 : i32
        %lt3A_109 = arith.constant 2500 : i32
        %lt3A_110 = arith.cmpi slt, %add3A_108, %lt3A_109 : i32
        %jit3A_111 = arith.constant 0 : i32
        %select_n3A_112 = arith.select %lt3A_110, %add3A_108, %jit3A_111 : i32
        %mul3A_113 = arith.constant 128 : i32
        %mul3A_114 = arith.muli %select_n3A_112, %mul3A_113 : i32
        %dma_start3A_115 = tpu.memref_slice %arg3[%mul3A_114] : memref<320000xi32, #tpu.memory_space<hbm>> -> memref<128xi32, #tpu.memory_space<hbm>>
        %dma_start3A_116 = tpu.memref_slice %arg3[%mul3A_114] : memref<320000xi32, #tpu.memory_space<hbm>> -> memref<128xi32, #tpu.memory_space<hbm>>
        tpu.enqueue_dma source(%dma_start3A_116 : memref<128xi32, #tpu.memory_space<hbm>>) target(%arg8 : memref<128xi32, #tpu.memory_space<vmem>>) target_semaphore(%arg15 : memref<!tpu.dma_semaphore, #tpu.memory_space<semaphore_mem>>)
        %dma_start3A_117 = tpu.memref_slice %arg4[%mul3A_114] : memref<320000xi32, #tpu.memory_space<hbm>> -> memref<128xi32, #tpu.memory_space<hbm>>
        %dma_start3A_118 = tpu.memref_slice %arg4[%mul3A_114] : memref<320000xi32, #tpu.memory_space<hbm>> -> memref<128xi32, #tpu.memory_space<hbm>>
        tpu.enqueue_dma source(%dma_start3A_118 : memref<128xi32, #tpu.memory_space<hbm>>) target(%arg10 : memref<128xi32, #tpu.memory_space<vmem>>) target_semaphore(%arg15 : memref<!tpu.dma_semaphore, #tpu.memory_space<semaphore_mem>>)
      } else {
      }
    }
    %scan3A_34 = arith.constant 40 : i32
    %barrier3A_35 = arith.constant 0 : index
    tpu.barrier barrier_id(%barrier3A_35)
    %lt3A_36 = arith.constant 15 : i32
    %lt3A_37 = arith.cmpi slt, %arg1, %lt3A_36 : i32
    %convert_element_type3A_38 = arith.extui %lt3A_37 : i1 to i32
    %cond3A_39 = arith.constant 0 : i32
    %cond3A_40 = arith.cmpi ne, %convert_element_type3A_38, %cond3A_39 : i32
    scf.if %cond3A_40 {
      %mul3A_46 = arith.constant 632 : i32
      %mul3A_47 = arith.muli %arg1, %mul3A_46 : i32
      %mul3A_48 = arith.constant 632 : i32
      %mul3A_49 = arith.muli %arg1, %mul3A_48 : i32
      "tpu.region"() ({
        %run_scoped3A = tpu.sem_alloc : memref<!tpu.dma_semaphore, #tpu.memory_space<semaphore_mem>>
        %dma_start3A_50 = arith.constant 0 : i32
        %dma_start3A_51 = tpu.memref_slice %arg6[%arg0, %mul3A_49, %dma_start3A_50] : memref<2x10000x128xf32, #tpu.memory_space<hbm>> -> memref<1x632x128xf32, #tpu.memory_space<hbm>>
        %dma_start3A_52 = tpu.memref_squeeze %dma_start3A_51 : memref<1x632x128xf32, #tpu.memory_space<hbm>> -> memref<632x128xf32, #tpu.memory_space<hbm>>
        %dma_start3A_53 = arith.constant 0 : i32
        %dma_start3A_54 = tpu.memref_slice %arg13[%mul3A_47, %dma_start3A_53] : memref<10000x128xf32, #tpu.memory_space<vmem_shared>> -> memref<632x128xf32, #tpu.memory_space<vmem_shared>>
        tpu.enqueue_dma source(%dma_start3A_54 : memref<632x128xf32, #tpu.memory_space<vmem_shared>>) target(%dma_start3A_52 : memref<632x128xf32, #tpu.memory_space<hbm>>) target_semaphore(%run_scoped3A : memref<!tpu.dma_semaphore, #tpu.memory_space<semaphore_mem>>)
        %dma_wait3A = arith.constant 0 : i32
        %dma_wait3A_55 = tpu.memref_slice %arg6[%arg0, %mul3A_49, %dma_wait3A] : memref<2x10000x128xf32, #tpu.memory_space<hbm>> -> memref<1x632x128xf32, #tpu.memory_space<hbm>>
        %dma_wait3A_56 = tpu.memref_squeeze %dma_wait3A_55 : memref<1x632x128xf32, #tpu.memory_space<hbm>> -> memref<632x128xf32, #tpu.memory_space<hbm>>
        %dma_wait3A_57 = arith.constant 0 : i32
        %dma_wait3A_58 = tpu.memref_slice %arg13[%mul3A_47, %dma_wait3A_57] : memref<10000x128xf32, #tpu.memory_space<vmem_shared>> -> memref<632x128xf32, #tpu.memory_space<vmem_shared>>
        tpu.wait_dma2 semaphore(%run_scoped3A : memref<!tpu.dma_semaphore, #tpu.memory_space<semaphore_mem>>) src(%dma_wait3A_58 : memref<632x128xf32, #tpu.memory_space<vmem_shared>>) dst(%dma_wait3A_56 : memref<632x128xf32, #tpu.memory_space<hbm>>)
        tpu.yield
      }) : () -> ()
    } else {
    }
    %eq3A_41 = arith.constant 15 : i32
    %eq3A_42 = arith.cmpi eq, %arg1, %eq3A_41 : i32
    %convert_element_type3A_43 = arith.extui %eq3A_42 : i1 to i32
    %cond3A_44 = arith.constant 0 : i32
    %cond3A_45 = arith.cmpi ne, %convert_element_type3A_43, %cond3A_44 : i32
    scf.if %cond3A_45 {
      "tpu.region"() ({
        %run_scoped3A = tpu.sem_alloc : memref<!tpu.dma_semaphore, #tpu.memory_space<semaphore_mem>>
        %dma_start3A_46 = arith.constant 9480 : i32
        %dma_start3A_47 = arith.constant 0 : i32
        %dma_start3A_48 = tpu.memref_slice %arg6[%arg0, %dma_start3A_46, %dma_start3A_47] : memref<2x10000x128xf32, #tpu.memory_space<hbm>> -> memref<1x520x128xf32, #tpu.memory_space<hbm>>
        %dma_start3A_49 = tpu.memref_squeeze %dma_start3A_48 : memref<1x520x128xf32, #tpu.memory_space<hbm>> -> memref<520x128xf32, #tpu.memory_space<hbm>>
        %dma_start3A_50 = arith.constant 9480 : i32
        %dma_start3A_51 = arith.constant 0 : i32
        %dma_start3A_52 = tpu.memref_slice %arg13[%dma_start3A_50, %dma_start3A_51] : memref<10000x128xf32, #tpu.memory_space<vmem_shared>> -> memref<520x128xf32, #tpu.memory_space<vmem_shared>>
        tpu.enqueue_dma source(%dma_start3A_52 : memref<520x128xf32, #tpu.memory_space<vmem_shared>>) target(%dma_start3A_49 : memref<520x128xf32, #tpu.memory_space<hbm>>) target_semaphore(%run_scoped3A : memref<!tpu.dma_semaphore, #tpu.memory_space<semaphore_mem>>)
        %dma_wait3A = arith.constant 9480 : i32
        %dma_wait3A_53 = arith.constant 0 : i32
        %dma_wait3A_54 = tpu.memref_slice %arg6[%arg0, %dma_wait3A, %dma_wait3A_53] : memref<2x10000x128xf32, #tpu.memory_space<hbm>> -> memref<1x520x128xf32, #tpu.memory_space<hbm>>
        %dma_wait3A_55 = tpu.memref_squeeze %dma_wait3A_54 : memref<1x520x128xf32, #tpu.memory_space<hbm>> -> memref<520x128xf32, #tpu.memory_space<hbm>>
        %dma_wait3A_56 = arith.constant 9480 : i32
        %dma_wait3A_57 = arith.constant 0 : i32
        %dma_wait3A_58 = tpu.memref_slice %arg13[%dma_wait3A_56, %dma_wait3A_57] : memref<10000x128xf32, #tpu.memory_space<vmem_shared>> -> memref<520x128xf32, #tpu.memory_space<vmem_shared>>
        tpu.wait_dma2 semaphore(%run_scoped3A : memref<!tpu.dma_semaphore, #tpu.memory_space<semaphore_mem>>) src(%dma_wait3A_58 : memref<520x128xf32, #tpu.memory_space<vmem_shared>>) dst(%dma_wait3A_55 : memref<520x128xf32, #tpu.memory_space<hbm>>)
        tpu.yield
      }) : () -> ()
    } else {
    }
    return
  }
}

module attributes {stable_mosaic.version = 14 : i64} {
  func.func @_conv1_body(%arg0: i32, %arg1: memref<2x2000x128xf32, #tpu.memory_space<vmem>>, %arg2: memref<2000x128xf32, #tpu.memory_space<vmem>>, %arg3: memref<128x128xf32, #tpu.memory_space<vmem>>, %arg4: memref<1x128xf32, #tpu.memory_space<vmem>>, %arg5: memref<128x128xf32, #tpu.memory_space<vmem>>, %arg6: memref<2000x128xf32, #tpu.memory_space<vmem>>) attributes {dimension_semantics = [#tpu.dimension_semantics<arbitrary>], iteration_bounds = array<i64: 5>, scalar_prefetch = 0 : i64, scratch_operands = 0 : i64, tpu.core_type = #tpu.core_type<tc>, window_params = [{transform_indices = @transform_0, window_bounds = array<i64: 2, 2000, 128>}, {transform_indices = @transform_1, window_bounds = array<i64: 2000, 128>}, {pipeline_mode = #tpu.pipeline_mode<synchronous>, transform_indices = @transform_2, window_bounds = array<i64: 128, 128>}, {pipeline_mode = #tpu.pipeline_mode<synchronous>, transform_indices = @transform_3, window_bounds = array<i64: 1, 128>}, {pipeline_mode = #tpu.pipeline_mode<synchronous>, transform_indices = @transform_4, window_bounds = array<i64: 128, 128>}, {transform_indices = @transform_5, window_bounds = array<i64: 2000, 128>}]} {
    %get3A = arith.constant 0 : index
    %get3A_0 = arith.constant 0 : index
    %get3A_1 = arith.constant 0 : index
    %get3A_2 = vector.load %arg1[%get3A, %get3A_0, %get3A_1] : memref<2x2000x128xf32, #tpu.memory_space<vmem>>, vector<1x2000x128xf32>
    %get3A_3 = vector.shape_cast %get3A_2 : vector<1x2000x128xf32> to vector<2000x128xf32>
    %get3A_4 = arith.constant 1 : index
    %get3A_5 = arith.constant 0 : index
    %get3A_6 = arith.constant 0 : index
    %get3A_7 = vector.load %arg1[%get3A_4, %get3A_5, %get3A_6] : memref<2x2000x128xf32, #tpu.memory_space<vmem>>, vector<1x2000x128xf32>
    %get3A_8 = vector.shape_cast %get3A_7 : vector<1x2000x128xf32> to vector<2000x128xf32>
    %add3A = arith.addf %get3A_3, %get3A_8 : vector<2000x128xf32>
    %get3A_9 = arith.constant 0 : index
    %get3A_10 = arith.constant 0 : index
    %get3A_11 = vector.load %arg3[%get3A_9, %get3A_10] : memref<128x128xf32, #tpu.memory_space<vmem>>, vector<128x128xf32>
    %dot_general3A = arith.constant dense<0.000000e+00> : vector<2000x128xf32>
    %dot_general3A_12 = tpu.matmul %add3A, %get3A_11, %dot_general3A {dimension_numbers = #tpu.dot_dimension_numbers<[1], [0], [0], [1], [0, 0, 1, 1], [], []>, transpose_lhs_hint = false} : vector<2000x128xf32>, vector<128x128xf32>, vector<2000x128xf32> -> vector<2000x128xf32>
    %get3A_13 = arith.constant 0 : index
    %get3A_14 = arith.constant 0 : index
    %get3A_15 = vector.load %arg4[%get3A_13, %get3A_14] : memref<1x128xf32, #tpu.memory_space<vmem>>, vector<1x128xf32>
    %add3A_16 = vector.broadcast %get3A_15 : vector<1x128xf32> to vector<2000x128xf32>
    %add3A_17 = arith.addf %dot_general3A_12, %add3A_16 : vector<2000x128xf32>
    %get3A_18 = arith.constant 0 : index
    %get3A_19 = arith.constant 0 : index
    %get3A_20 = vector.load %arg2[%get3A_18, %get3A_19] : memref<2000x128xf32, #tpu.memory_space<vmem>>, vector<2000x128xf32>
    %get3A_21 = arith.constant 0 : index
    %get3A_22 = arith.constant 0 : index
    %get3A_23 = vector.load %arg5[%get3A_21, %get3A_22] : memref<128x128xf32, #tpu.memory_space<vmem>>, vector<128x128xf32>
    %dot_general3A_24 = arith.constant dense<0.000000e+00> : vector<2000x128xf32>
    %dot_general3A_25 = tpu.matmul %get3A_20, %get3A_23, %dot_general3A_24 {dimension_numbers = #tpu.dot_dimension_numbers<[1], [0], [0], [1], [0, 0, 1, 1], [], []>, transpose_lhs_hint = false} : vector<2000x128xf32>, vector<128x128xf32>, vector<2000x128xf32> -> vector<2000x128xf32>
    %add3A_26 = arith.addf %add3A_17, %dot_general3A_25 : vector<2000x128xf32>
    %max3A = arith.constant 0.000000e+00 : f32
    %max3A_27 = vector.broadcast %max3A : f32 to vector<2000x128xf32>
    %max3A_28 = arith.maximumf %add3A_26, %max3A_27 : vector<2000x128xf32>
    %swap3A = arith.constant 0 : index
    %swap3A_29 = arith.constant 0 : index
    %swap3A_30 = vector.load %arg6[%swap3A, %swap3A_29] : memref<2000x128xf32, #tpu.memory_space<vmem>>, vector<2000x128xf32>
    tpu.vector_store %arg6[%swap3A, %swap3A_29], %max3A_28 {strides = array<i32>} : memref<2000x128xf32, #tpu.memory_space<vmem>>, vector<2000x128xf32>,
    return
  }
  func.func @transform_0(%arg0: i32) -> (i32, i32, i32) {
    %c0_i32 = arith.constant 0 : i32
    %c0_i32_0 = arith.constant 0 : i32
    %c0_i32_1 = arith.constant 0 : i32
    return %c0_i32, %arg0, %c0_i32_0 : i32, i32, i32
  }
  func.func @transform_1(%arg0: i32) -> (i32, i32) {
    %c0_i32 = arith.constant 0 : i32
    %c0_i32_0 = arith.constant 0 : i32
    return %arg0, %c0_i32 : i32, i32
  }
  func.func @transform_2(%arg0: i32) -> (i32, i32) {
    %c0_i32 = arith.constant 0 : i32
    %c0_i32_0 = arith.constant 0 : i32
    %c0_i32_1 = arith.constant 0 : i32
    return %c0_i32, %c0_i32_0 : i32, i32
  }
  func.func @transform_3(%arg0: i32) -> (i32, i32) {
    %c0_i32 = arith.constant 0 : i32
    %c0_i32_0 = arith.constant 0 : i32
    %c0_i32_1 = arith.constant 0 : i32
    return %c0_i32, %c0_i32_0 : i32, i32
  }
  func.func @transform_4(%arg0: i32) -> (i32, i32) {
    %c0_i32 = arith.constant 0 : i32
    %c0_i32_0 = arith.constant 0 : i32
    %c0_i32_1 = arith.constant 0 : i32
    return %c0_i32, %c0_i32_0 : i32, i32
  }
  func.func @transform_5(%arg0: i32) -> (i32, i32) {
    %c0_i32 = arith.constant 0 : i32
    %c0_i32_0 = arith.constant 0 : i32
    return %arg0, %c0_i32 : i32, i32
  }
}

module attributes {stable_mosaic.version = 14 : i64} {
  func.func @_final_body(%arg0: i32, %arg1: memref<2x2000x128xf32, #tpu.memory_space<vmem>>, %arg2: memref<2000x128xf32, #tpu.memory_space<vmem>>, %arg3: memref<128x128xf32, #tpu.memory_space<vmem>>, %arg4: memref<1x128xf32, #tpu.memory_space<vmem>>, %arg5: memref<128x128xf32, #tpu.memory_space<vmem>>, %arg6: memref<2000x1xi32, #tpu.memory_space<vmem>>, %arg7: memref<256x128xf32, #tpu.memory_space<vmem>>, %arg8: memref<1x128xf32, #tpu.memory_space<vmem>>, %arg9: memref<256x128xf32, #tpu.memory_space<vmem>>, %arg10: memref<256x128xf32, #tpu.memory_space<vmem>>, %arg11: memref<256x128xf32, #tpu.memory_space<vmem>>) attributes {dimension_semantics = [#tpu.dimension_semantics<arbitrary>], iteration_bounds = array<i64: 5>, scalar_prefetch = 0 : i64, scratch_operands = 2 : i64, tpu.core_type = #tpu.core_type<tc>, window_params = [{transform_indices = @transform_0, window_bounds = array<i64: 2, 2000, 128>}, {transform_indices = @transform_1, window_bounds = array<i64: 2000, 128>}, {pipeline_mode = #tpu.pipeline_mode<synchronous>, transform_indices = @transform_2, window_bounds = array<i64: 128, 128>}, {pipeline_mode = #tpu.pipeline_mode<synchronous>, transform_indices = @transform_3, window_bounds = array<i64: 1, 128>}, {pipeline_mode = #tpu.pipeline_mode<synchronous>, transform_indices = @transform_4, window_bounds = array<i64: 128, 128>}, {transform_indices = @transform_5, window_bounds = array<i64: 2000, 1>}, {pipeline_mode = #tpu.pipeline_mode<synchronous>, transform_indices = @transform_6, window_bounds = array<i64: 256, 128>}, {pipeline_mode = #tpu.pipeline_mode<synchronous>, transform_indices = @transform_7, window_bounds = array<i64: 1, 128>}, {pipeline_mode = #tpu.pipeline_mode<synchronous>, transform_indices = @transform_8, window_bounds = array<i64: 256, 128>}]} {
    %eq3A = arith.constant 0 : i32
    %eq3A_0 = arith.cmpi eq, %arg0, %eq3A : i32
    %convert_element_type3A = arith.extui %eq3A_0 : i1 to i32
    %cond3A = arith.constant 0 : i32
    %cond3A_1 = arith.cmpi ne, %convert_element_type3A, %cond3A : i32
    scf.if %cond3A_1 {
      %broadcast_in_dim3A_61 = arith.constant 0.000000e+00 : f32
      %broadcast_in_dim3A_62 = vector.broadcast %broadcast_in_dim3A_61 : f32 to vector<256x128xf32>
      %swap3A_63 = arith.constant 0 : index
      %swap3A_64 = arith.constant 0 : index
      %swap3A_65 = vector.load %arg10[%swap3A_63, %swap3A_64] : memref<256x128xf32, #tpu.memory_space<vmem>>, vector<256x128xf32>
      tpu.vector_store %arg10[%swap3A_63, %swap3A_64], %broadcast_in_dim3A_62 {strides = array<i32>} : memref<256x128xf32, #tpu.memory_space<vmem>>, vector<256x128xf32>,
      %broadcast_in_dim3A_66 = arith.constant 0.000000e+00 : f32
      %broadcast_in_dim3A_67 = vector.broadcast %broadcast_in_dim3A_66 : f32 to vector<256x128xf32>
      %swap3A_68 = arith.constant 0 : index
      %swap3A_69 = arith.constant 0 : index
      %swap3A_70 = vector.load %arg11[%swap3A_68, %swap3A_69] : memref<256x128xf32, #tpu.memory_space<vmem>>, vector<256x128xf32>
      tpu.vector_store %arg11[%swap3A_68, %swap3A_69], %broadcast_in_dim3A_67 {strides = array<i32>} : memref<256x128xf32, #tpu.memory_space<vmem>>, vector<256x128xf32>,
    } else {
    }
    %get3A = arith.constant 0 : index
    %get3A_2 = arith.constant 0 : index
    %get3A_3 = arith.constant 0 : index
    %get3A_4 = vector.load %arg1[%get3A, %get3A_2, %get3A_3] : memref<2x2000x128xf32, #tpu.memory_space<vmem>>, vector<1x2000x128xf32>
    %get3A_5 = vector.shape_cast %get3A_4 : vector<1x2000x128xf32> to vector<2000x128xf32>
    %get3A_6 = arith.constant 1 : index
    %get3A_7 = arith.constant 0 : index
    %get3A_8 = arith.constant 0 : index
    %get3A_9 = vector.load %arg1[%get3A_6, %get3A_7, %get3A_8] : memref<2x2000x128xf32, #tpu.memory_space<vmem>>, vector<1x2000x128xf32>
    %get3A_10 = vector.shape_cast %get3A_9 : vector<1x2000x128xf32> to vector<2000x128xf32>
    %add3A = arith.addf %get3A_5, %get3A_10 : vector<2000x128xf32>
    %get3A_11 = arith.constant 0 : index
    %get3A_12 = arith.constant 0 : index
    %get3A_13 = vector.load %arg3[%get3A_11, %get3A_12] : memref<128x128xf32, #tpu.memory_space<vmem>>, vector<128x128xf32>
    %dot_general3A = arith.constant dense<0.000000e+00> : vector<2000x128xf32>
    %dot_general3A_14 = tpu.matmul %add3A, %get3A_13, %dot_general3A {dimension_numbers = #tpu.dot_dimension_numbers<[1], [0], [0], [1], [0, 0, 1, 1], [], []>, transpose_lhs_hint = false} : vector<2000x128xf32>, vector<128x128xf32>, vector<2000x128xf32> -> vector<2000x128xf32>
    %get3A_15 = arith.constant 0 : index
    %get3A_16 = arith.constant 0 : index
    %get3A_17 = vector.load %arg4[%get3A_15, %get3A_16] : memref<1x128xf32, #tpu.memory_space<vmem>>, vector<1x128xf32>
    %add3A_18 = vector.broadcast %get3A_17 : vector<1x128xf32> to vector<2000x128xf32>
    %add3A_19 = arith.addf %dot_general3A_14, %add3A_18 : vector<2000x128xf32>
    %get3A_20 = arith.constant 0 : index
    %get3A_21 = arith.constant 0 : index
    %get3A_22 = vector.load %arg2[%get3A_20, %get3A_21] : memref<2000x128xf32, #tpu.memory_space<vmem>>, vector<2000x128xf32>
    %get3A_23 = arith.constant 0 : index
    %get3A_24 = arith.constant 0 : index
    %get3A_25 = vector.load %arg5[%get3A_23, %get3A_24] : memref<128x128xf32, #tpu.memory_space<vmem>>, vector<128x128xf32>
    %dot_general3A_26 = arith.constant dense<0.000000e+00> : vector<2000x128xf32>
    %dot_general3A_27 = tpu.matmul %get3A_22, %get3A_25, %dot_general3A_26 {dimension_numbers = #tpu.dot_dimension_numbers<[1], [0], [0], [1], [0, 0, 1, 1], [], []>, transpose_lhs_hint = false} : vector<2000x128xf32>, vector<128x128xf32>, vector<2000x128xf32> -> vector<2000x128xf32>
    %add3A_28 = arith.addf %add3A_19, %dot_general3A_27 : vector<2000x128xf32>
    %max3A = arith.constant 0.000000e+00 : f32
    %max3A_29 = vector.broadcast %max3A : f32 to vector<2000x128xf32>
    %max3A_30 = arith.maximumf %add3A_28, %max3A_29 : vector<2000x128xf32>
    %get3A_31 = arith.constant 0 : index
    %get3A_32 = arith.constant 0 : index
    %get3A_33 = vector.load %arg6[%get3A_31, %get3A_32] : memref<2000x1xi32, #tpu.memory_space<vmem>>, vector<2000x1xi32>
    %iota3A = tpu.iota {dimensions = array<i32: 1>} : vector<2000x256xi32>
    %eq3A_34 = vector.broadcast %get3A_33 : vector<2000x1xi32> to vector<2000x256xi32>
    %eq3A_35 = arith.cmpi eq, %eq3A_34, %iota3A : vector<2000x256xi32>
    %convert_element_type3A_36 = arith.extui %eq3A_35 : vector<2000x256xi1> to vector<2000x256xi32>
    %convert_element_type3A_37 = arith.sitofp %convert_element_type3A_36 : vector<2000x256xi32> to vector<2000x256xf32>
    %get3A_38 = arith.constant 0 : index
    %get3A_39 = arith.constant 0 : index
    %get3A_40 = vector.load %arg10[%get3A_38, %get3A_39] : memref<256x128xf32, #tpu.memory_space<vmem>>, vector<256x128xf32>
    %dot_general3A_41 = arith.constant dense<0.000000e+00> : vector<256x128xf32>
    %dot_general3A_42 = tpu.matmul %convert_element_type3A_37, %max3A_30, %dot_general3A_41 {dimension_numbers = #tpu.dot_dimension_numbers<[0], [0], [1], [1], [0, 1, 1, 1], [], []>, precision = #tpu.contract_precision<fp32>, transpose_lhs_hint = false} : vector<2000x256xf32>, vector<2000x128xf32>, vector<256x128xf32> -> vector<256x128xf32>
    %add3A_43 = arith.addf %get3A_40, %dot_general3A_42 : vector<256x128xf32>
    %swap3A = arith.constant 0 : index
    %swap3A_44 = arith.constant 0 : index
    %swap3A_45 = vector.load %arg10[%swap3A, %swap3A_44] : memref<256x128xf32, #tpu.memory_space<vmem>>, vector<256x128xf32>
    tpu.vector_store %arg10[%swap3A, %swap3A_44], %add3A_43 {strides = array<i32>} : memref<256x128xf32, #tpu.memory_space<vmem>>, vector<256x128xf32>,
    %get3A_46 = arith.constant 0 : index
    %get3A_47 = arith.constant 0 : index
    %get3A_48 = vector.load %arg11[%get3A_46, %get3A_47] : memref<256x128xf32, #tpu.memory_space<vmem>>, vector<256x128xf32>
    %broadcast_in_dim3A = arith.constant 1.000000e+00 : f32
    %broadcast_in_dim3A_49 = vector.broadcast %broadcast_in_dim3A : f32 to vector<2000x128xf32>
    %dot_general3A_50 = arith.constant dense<0.000000e+00> : vector<256x128xf32>
    %dot_general3A_51 = tpu.matmul %convert_element_type3A_37, %broadcast_in_dim3A_49, %dot_general3A_50 {dimension_numbers = #tpu.dot_dimension_numbers<[0], [0], [1], [1], [0, 1, 1, 1], [], []>, precision = #tpu.contract_precision<fp32>, transpose_lhs_hint = false} : vector<2000x256xf32>, vector<2000x128xf32>, vector<256x128xf32> -> vector<256x128xf32>
    %add3A_52 = arith.addf %get3A_48, %dot_general3A_51 : vector<256x128xf32>
    %swap3A_53 = arith.constant 0 : index
    %swap3A_54 = arith.constant 0 : index
    %swap3A_55 = vector.load %arg11[%swap3A_53, %swap3A_54] : memref<256x128xf32, #tpu.memory_space<vmem>>, vector<256x128xf32>
    tpu.vector_store %arg11[%swap3A_53, %swap3A_54], %add3A_52 {strides = array<i32>} : memref<256x128xf32, #tpu.memory_space<vmem>>, vector<256x128xf32>,
    %eq3A_56 = arith.constant 4 : i32
    %eq3A_57 = arith.cmpi eq, %arg0, %eq3A_56 : i32
    %convert_element_type3A_58 = arith.extui %eq3A_57 : i1 to i32
    %cond3A_59 = arith.constant 0 : i32
    %cond3A_60 = arith.cmpi ne, %convert_element_type3A_58, %cond3A_59 : i32
    scf.if %cond3A_60 {
      %get3A_61 = arith.constant 0 : index
      %get3A_62 = arith.constant 0 : index
      %get3A_63 = vector.load %arg10[%get3A_61, %get3A_62] : memref<256x128xf32, #tpu.memory_space<vmem>>, vector<256x128xf32>
      %get3A_64 = arith.constant 0 : index
      %get3A_65 = arith.constant 0 : index
      %get3A_66 = vector.load %arg11[%get3A_64, %get3A_65] : memref<256x128xf32, #tpu.memory_space<vmem>>, vector<256x128xf32>
      %max3A_67 = arith.constant 1.000000e+00 : f32
      %max3A_68 = vector.broadcast %max3A_67 : f32 to vector<256x128xf32>
      %max3A_69 = arith.maximumf %get3A_66, %max3A_68 : vector<256x128xf32>
      %div3A = arith.divf %get3A_63, %max3A_69 : vector<256x128xf32>
      %dot_general3A_70 = arith.constant dense<0.000000e+00> : vector<256x256xf32>
      %dot_general3A_71 = tpu.matmul %div3A, %div3A, %dot_general3A_70 {dimension_numbers = #tpu.dot_dimension_numbers<[1], [1], [0], [0], [0, 0, 1, 0], [], []>, transpose_lhs_hint = false} : vector<256x128xf32>, vector<256x128xf32>, vector<256x256xf32> -> vector<256x256xf32>
      %mul3A = arith.mulf %div3A, %div3A : vector<256x128xf32>
      %broadcast_in_dim3A_72 = arith.constant 1.000000e+00 : f32
      %broadcast_in_dim3A_73 = vector.broadcast %broadcast_in_dim3A_72 : f32 to vector<1x128xf32>
      %dot_general3A_74 = arith.constant dense<0.000000e+00> : vector<1x256xf32>
      %dot_general3A_75 = tpu.matmul %broadcast_in_dim3A_73, %mul3A, %dot_general3A_74 {dimension_numbers = #tpu.dot_dimension_numbers<[1], [1], [0], [0], [0, 0, 1, 0], [], []>, precision = #tpu.contract_precision<fp32>, transpose_lhs_hint = false} : vector<1x128xf32>, vector<256x128xf32>, vector<1x256xf32> -> vector<1x256xf32>
      %mul3A_76 = arith.constant 2.000000e+00 : f32
      %mul3A_77 = vector.broadcast %mul3A_76 : f32 to vector<256x256xf32>
      %mul3A_78 = arith.mulf %mul3A_77, %dot_general3A_71 : vector<256x256xf32>
      %sub3A = vector.broadcast %dot_general3A_75 : vector<1x256xf32> to vector<256x256xf32>
      %sub3A_79 = arith.subf %sub3A, %mul3A_78 : vector<256x256xf32>
      %iota3A_80 = tpu.iota {dimensions = array<i32: 1>} : vector<256x256xi32>
      %broadcast_in_dim3A_81 = arith.constant 0xFF800000 : f32
      %broadcast_in_dim3A_82 = vector.broadcast %broadcast_in_dim3A_81 : f32 to vector<256x128xf32>
      %reduce_min3A = arith.constant dense<0x7F800000> : vector<256xf32>
      %reduce_min3A_83 = vector.multi_reduction <minimumf>, %sub3A_79, %reduce_min3A [1] : vector<256x256xf32> to vector<256xf32>
      %broadcast_in_dim3A_84 = vector.shape_cast %reduce_min3A_83 : vector<256xf32> to vector<256x1xf32>
      %eq3A_85 = vector.broadcast %broadcast_in_dim3A_84 : vector<256x1xf32> to vector<256x256xf32>
      %eq3A_86 = arith.cmpf oeq, %sub3A_79, %eq3A_85 : vector<256x256xf32>
      %jit3A = arith.constant 256 : i32
      %broadcast_in_dim3A_87 = vector.broadcast %jit3A : i32 to vector<256x256xi32>
      %select_n3A = arith.select %eq3A_86, %iota3A_80, %broadcast_in_dim3A_87 : vector<256x256xi1>, vector<256x256xi32>
      %reduce_min3A_88 = arith.constant dense<2147483647> : vector<256xi32>
      %reduce_min3A_89 = vector.multi_reduction <minsi>, %select_n3A, %reduce_min3A_88 [1] : vector<256x256xi32> to vector<256xi32>
      %broadcast_in_dim3A_90 = vector.shape_cast %reduce_min3A_89 : vector<256xi32> to vector<256x1xi32>
      %eq3A_91 = vector.broadcast %broadcast_in_dim3A_90 : vector<256x1xi32> to vector<256x256xi32>
      %eq3A_92 = arith.cmpi eq, %iota3A_80, %eq3A_91 : vector<256x256xi32>
      %convert_element_type3A_93 = arith.extui %eq3A_92 : vector<256x256xi1> to vector<256x256xi32>
      %convert_element_type3A_94 = arith.sitofp %convert_element_type3A_93 : vector<256x256xi32> to vector<256x256xf32>
      %dot_general3A_95 = arith.constant dense<0.000000e+00> : vector<256x128xf32>
      %dot_general3A_96 = tpu.matmul %convert_element_type3A_94, %div3A, %dot_general3A_95 {dimension_numbers = #tpu.dot_dimension_numbers<[1], [0], [0], [1], [0, 0, 1, 1], [], []>, precision = #tpu.contract_precision<fp32>, transpose_lhs_hint = false} : vector<256x256xf32>, vector<256x128xf32>, vector<256x128xf32> -> vector<256x128xf32>
      %sub3A_97 = arith.subf %dot_general3A_96, %div3A : vector<256x128xf32>
      %concatenate3A = tpu.concatenate %div3A, %sub3A_97 in 1 : vector<256x128xf32>, vector<256x128xf32> -> vector<256x256xf32>
      %get3A_98 = arith.constant 0 : index
      %get3A_99 = arith.constant 0 : index
      %get3A_100 = vector.load %arg7[%get3A_98, %get3A_99] : memref<256x128xf32, #tpu.memory_space<vmem>>, vector<256x128xf32>
      %dot_general3A_101 = arith.constant dense<0.000000e+00> : vector<256x128xf32>
      %dot_general3A_102 = tpu.matmul %concatenate3A, %get3A_100, %dot_general3A_101 {dimension_numbers = #tpu.dot_dimension_numbers<[1], [0], [0], [1], [0, 0, 1, 1], [], []>, transpose_lhs_hint = false} : vector<256x256xf32>, vector<256x128xf32>, vector<256x128xf32> -> vector<256x128xf32>
      %get3A_103 = arith.constant 0 : index
      %get3A_104 = arith.constant 0 : index
      %get3A_105 = vector.load %arg8[%get3A_103, %get3A_104] : memref<1x128xf32, #tpu.memory_space<vmem>>, vector<1x128xf32>
      %add3A_106 = vector.broadcast %get3A_105 : vector<1x128xf32> to vector<256x128xf32>
      %add3A_107 = arith.addf %dot_general3A_102, %add3A_106 : vector<256x128xf32>
      %ge3A = arith.constant 0.000000e+00 : f32
      %ge3A_108 = vector.broadcast %ge3A : f32 to vector<256x128xf32>
      %ge3A_109 = arith.cmpf oge, %add3A_107, %ge3A_108 : vector<256x128xf32>
      %mul3A_110 = arith.constant 0.00999999977 : f32
      %mul3A_111 = vector.broadcast %mul3A_110 : f32 to vector<256x128xf32>
      %mul3A_112 = arith.mulf %mul3A_111, %add3A_107 : vector<256x128xf32>
      %select_n3A_113 = arith.select %ge3A_109, %add3A_107, %mul3A_112 : vector<256x128xi1>, vector<256x128xf32>
      %max3A_114 = arith.maximumf %broadcast_in_dim3A_82, %select_n3A_113 : vector<256x128xf32>
      %eq3A_115 = vector.broadcast %broadcast_in_dim3A_90 : vector<256x1xi32> to vector<256x256xi32>
      %eq3A_116 = arith.cmpi eq, %iota3A_80, %eq3A_115 : vector<256x256xi32>
      %jit3A_117 = arith.constant 0x7F800000 : f32
      %broadcast_in_dim3A_118 = vector.broadcast %jit3A_117 : f32 to vector<256x256xf32>
      %select_n3A_119 = arith.select %eq3A_116, %broadcast_in_dim3A_118, %sub3A_79 : vector<256x256xi1>, vector<256x256xf32>
      %reduce_min3A_120 = arith.constant dense<0x7F800000> : vector<256xf32>
      %reduce_min3A_121 = vector.multi_reduction <minimumf>, %select_n3A_119, %reduce_min3A_120 [1] : vector<256x256xf32> to vector<256xf32>
      %broadcast_in_dim3A_122 = vector.shape_cast %reduce_min3A_121 : vector<256xf32> to vector<256x1xf32>
      %eq3A_123 = vector.broadcast %broadcast_in_dim3A_122 : vector<256x1xf32> to vector<256x256xf32>
      %eq3A_124 = arith.cmpf oeq, %select_n3A_119, %eq3A_123 : vector<256x256xf32>
      %jit3A_125 = arith.constant 256 : i32
      %broadcast_in_dim3A_126 = vector.broadcast %jit3A_125 : i32 to vector<256x256xi32>
      %select_n3A_127 = arith.select %eq3A_124, %iota3A_80, %broadcast_in_dim3A_126 : vector<256x256xi1>, vector<256x256xi32>
      %reduce_min3A_128 = arith.constant dense<2147483647> : vector<256xi32>
      %reduce_min3A_129 = vector.multi_reduction <minsi>, %select_n3A_127, %reduce_min3A_128 [1] : vector<256x256xi32> to vector<256xi32>
      %broadcast_in_dim3A_130 = vector.shape_cast %reduce_min3A_129 : vector<256xi32> to vector<256x1xi32>
      %eq3A_131 = vector.broadcast %broadcast_in_dim3A_130 : vector<256x1xi32> to vector<256x256xi32>
      %eq3A_132 = arith.cmpi eq, %iota3A_80, %eq3A_131 : vector<256x256xi32>
      %convert_element_type3A_133 = arith.extui %eq3A_132 : vector<256x256xi1> to vector<256x256xi32>
      %convert_element_type3A_134 = arith.sitofp %convert_element_type3A_133 : vector<256x256xi32> to vector<256x256xf32>
      %dot_general3A_135 = arith.constant dense<0.000000e+00> : vector<256x128xf32>
      %dot_general3A_136 = tpu.matmul %convert_element_type3A_134, %div3A, %dot_general3A_135 {dimension_numbers = #tpu.dot_dimension_numbers<[1], [0], [0], [1], [0, 0, 1, 1], [], []>, precision = #tpu.contract_precision<fp32>, transpose_lhs_hint = false} : vector<256x256xf32>, vector<256x128xf32>, vector<256x128xf32> -> vector<256x128xf32>
      %sub3A_137 = arith.subf %dot_general3A_136, %div3A : vector<256x128xf32>
      %concatenate3A_138 = tpu.concatenate %div3A, %sub3A_137 in 1 : vector<256x128xf32>, vector<256x128xf32> -> vector<256x256xf32>
      %get3A_139 = arith.constant 0 : index
      %get3A_140 = arith.constant 0 : index
      %get3A_141 = vector.load %arg7[%get3A_139, %get3A_140] : memref<256x128xf32, #tpu.memory_space<vmem>>, vector<256x128xf32>
      %dot_general3A_142 = arith.constant dense<0.000000e+00> : vector<256x128xf32>
      %dot_general3A_143 = tpu.matmul %concatenate3A_138, %get3A_141, %dot_general3A_142 {dimension_numbers = #tpu.dot_dimension_numbers<[1], [0], [0], [1], [0, 0, 1, 1], [], []>, transpose_lhs_hint = false} : vector<256x256xf32>, vector<256x128xf32>, vector<256x128xf32> -> vector<256x128xf32>
      %get3A_144 = arith.constant 0 : index
      %get3A_145 = arith.constant 0 : index
      %get3A_146 = vector.load %arg8[%get3A_144, %get3A_145] : memref<1x128xf32, #tpu.memory_space<vmem>>, vector<1x128xf32>
      %add3A_147 = vector.broadcast %get3A_146 : vector<1x128xf32> to vector<256x128xf32>
      %add3A_148 = arith.addf %dot_general3A_143, %add3A_147 : vector<256x128xf32>
      %ge3A_149 = arith.constant 0.000000e+00 : f32
      %ge3A_150 = vector.broadcast %ge3A_149 : f32 to vector<256x128xf32>
      %ge3A_151 = arith.cmpf oge, %add3A_148, %ge3A_150 : vector<256x128xf32>
      %mul3A_152 = arith.constant 0.00999999977 : f32
      %mul3A_153 = vector.broadcast %mul3A_152 : f32 to vector<256x128xf32>
      %mul3A_154 = arith.mulf %mul3A_153, %add3A_148 : vector<256x128xf32>
      %select_n3A_155 = arith.select %ge3A_151, %add3A_148, %mul3A_154 : vector<256x128xi1>, vector<256x128xf32>
      %max3A_156 = arith.maximumf %max3A_114, %select_n3A_155 : vector<256x128xf32>
      %eq3A_157 = vector.broadcast %broadcast_in_dim3A_130 : vector<256x1xi32> to vector<256x256xi32>
      %eq3A_158 = arith.cmpi eq, %iota3A_80, %eq3A_157 : vector<256x256xi32>
      %jit3A_159 = arith.constant 0x7F800000 : f32
      %broadcast_in_dim3A_160 = vector.broadcast %jit3A_159 : f32 to vector<256x256xf32>
      %select_n3A_161 = arith.select %eq3A_158, %broadcast_in_dim3A_160, %select_n3A_119 : vector<256x256xi1>, vector<256x256xf32>
      %reduce_min3A_162 = arith.constant dense<0x7F800000> : vector<256xf32>
      %reduce_min3A_163 = vector.multi_reduction <minimumf>, %select_n3A_161, %reduce_min3A_162 [1] : vector<256x256xf32> to vector<256xf32>
      %broadcast_in_dim3A_164 = vector.shape_cast %reduce_min3A_163 : vector<256xf32> to vector<256x1xf32>
      %eq3A_165 = vector.broadcast %broadcast_in_dim3A_164 : vector<256x1xf32> to vector<256x256xf32>
      %eq3A_166 = arith.cmpf oeq, %select_n3A_161, %eq3A_165 : vector<256x256xf32>
      %jit3A_167 = arith.constant 256 : i32
      %broadcast_in_dim3A_168 = vector.broadcast %jit3A_167 : i32 to vector<256x256xi32>
      %select_n3A_169 = arith.select %eq3A_166, %iota3A_80, %broadcast_in_dim3A_168 : vector<256x256xi1>, vector<256x256xi32>
      %reduce_min3A_170 = arith.constant dense<2147483647> : vector<256xi32>
      %reduce_min3A_171 = vector.multi_reduction <minsi>, %select_n3A_169, %reduce_min3A_170 [1] : vector<256x256xi32> to vector<256xi32>
      %broadcast_in_dim3A_172 = vector.shape_cast %reduce_min3A_171 : vector<256xi32> to vector<256x1xi32>
      %eq3A_173 = vector.broadcast %broadcast_in_dim3A_172 : vector<256x1xi32> to vector<256x256xi32>
      %eq3A_174 = arith.cmpi eq, %iota3A_80, %eq3A_173 : vector<256x256xi32>
      %convert_element_type3A_175 = arith.extui %eq3A_174 : vector<256x256xi1> to vector<256x256xi32>
      %convert_element_type3A_176 = arith.sitofp %convert_element_type3A_175 : vector<256x256xi32> to vector<256x256xf32>
      %dot_general3A_177 = arith.constant dense<0.000000e+00> : vector<256x128xf32>
      %dot_general3A_178 = tpu.matmul %convert_element_type3A_176, %div3A, %dot_general3A_177 {dimension_numbers = #tpu.dot_dimension_numbers<[1], [0], [0], [1], [0, 0, 1, 1], [], []>, precision = #tpu.contract_precision<fp32>, transpose_lhs_hint = false} : vector<256x256xf32>, vector<256x128xf32>, vector<256x128xf32> -> vector<256x128xf32>
      %sub3A_179 = arith.subf %dot_general3A_178, %div3A : vector<256x128xf32>
      %concatenate3A_180 = tpu.concatenate %div3A, %sub3A_179 in 1 : vector<256x128xf32>, vector<256x128xf32> -> vector<256x256xf32>
      %get3A_181 = arith.constant 0 : index
      %get3A_182 = arith.constant 0 : index
      %get3A_183 = vector.load %arg7[%get3A_181, %get3A_182] : memref<256x128xf32, #tpu.memory_space<vmem>>, vector<256x128xf32>
      %dot_general3A_184 = arith.constant dense<0.000000e+00> : vector<256x128xf32>
      %dot_general3A_185 = tpu.matmul %concatenate3A_180, %get3A_183, %dot_general3A_184 {dimension_numbers = #tpu.dot_dimension_numbers<[1], [0], [0], [1], [0, 0, 1, 1], [], []>, transpose_lhs_hint = false} : vector<256x256xf32>, vector<256x128xf32>, vector<256x128xf32> -> vector<256x128xf32>
      %get3A_186 = arith.constant 0 : index
      %get3A_187 = arith.constant 0 : index
      %get3A_188 = vector.load %arg8[%get3A_186, %get3A_187] : memref<1x128xf32, #tpu.memory_space<vmem>>, vector<1x128xf32>
      %add3A_189 = vector.broadcast %get3A_188 : vector<1x128xf32> to vector<256x128xf32>
      %add3A_190 = arith.addf %dot_general3A_185, %add3A_189 : vector<256x128xf32>
      %ge3A_191 = arith.constant 0.000000e+00 : f32
      %ge3A_192 = vector.broadcast %ge3A_191 : f32 to vector<256x128xf32>
      %ge3A_193 = arith.cmpf oge, %add3A_190, %ge3A_192 : vector<256x128xf32>
      %mul3A_194 = arith.constant 0.00999999977 : f32
      %mul3A_195 = vector.broadcast %mul3A_194 : f32 to vector<256x128xf32>
      %mul3A_196 = arith.mulf %mul3A_195, %add3A_190 : vector<256x128xf32>
      %select_n3A_197 = arith.select %ge3A_193, %add3A_190, %mul3A_196 : vector<256x128xi1>, vector<256x128xf32>
      %max3A_198 = arith.maximumf %max3A_156, %select_n3A_197 : vector<256x128xf32>
      %eq3A_199 = vector.broadcast %broadcast_in_dim3A_172 : vector<256x1xi32> to vector<256x256xi32>
      %eq3A_200 = arith.cmpi eq, %iota3A_80, %eq3A_199 : vector<256x256xi32>
      %jit3A_201 = arith.constant 0x7F800000 : f32
      %broadcast_in_dim3A_202 = vector.broadcast %jit3A_201 : f32 to vector<256x256xf32>
      %select_n3A_203 = arith.select %eq3A_200, %broadcast_in_dim3A_202, %select_n3A_161 : vector<256x256xi1>, vector<256x256xf32>
      %reduce_min3A_204 = arith.constant dense<0x7F800000> : vector<256xf32>
      %reduce_min3A_205 = vector.multi_reduction <minimumf>, %select_n3A_203, %reduce_min3A_204 [1] : vector<256x256xf32> to vector<256xf32>
      %broadcast_in_dim3A_206 = vector.shape_cast %reduce_min3A_205 : vector<256xf32> to vector<256x1xf32>
      %eq3A_207 = vector.broadcast %broadcast_in_dim3A_206 : vector<256x1xf32> to vector<256x256xf32>
      %eq3A_208 = arith.cmpf oeq, %select_n3A_203, %eq3A_207 : vector<256x256xf32>
      %jit3A_209 = arith.constant 256 : i32
      %broadcast_in_dim3A_210 = vector.broadcast %jit3A_209 : i32 to vector<256x256xi32>
      %select_n3A_211 = arith.select %eq3A_208, %iota3A_80, %broadcast_in_dim3A_210 : vector<256x256xi1>, vector<256x256xi32>
      %reduce_min3A_212 = arith.constant dense<2147483647> : vector<256xi32>
      %reduce_min3A_213 = vector.multi_reduction <minsi>, %select_n3A_211, %reduce_min3A_212 [1] : vector<256x256xi32> to vector<256xi32>
      %broadcast_in_dim3A_214 = vector.shape_cast %reduce_min3A_213 : vector<256xi32> to vector<256x1xi32>
      %eq3A_215 = vector.broadcast %broadcast_in_dim3A_214 : vector<256x1xi32> to vector<256x256xi32>
      %eq3A_216 = arith.cmpi eq, %iota3A_80, %eq3A_215 : vector<256x256xi32>
      %convert_element_type3A_217 = arith.extui %eq3A_216 : vector<256x256xi1> to vector<256x256xi32>
      %convert_element_type3A_218 = arith.sitofp %convert_element_type3A_217 : vector<256x256xi32> to vector<256x256xf32>
      %dot_general3A_219 = arith.constant dense<0.000000e+00> : vector<256x128xf32>
      %dot_general3A_220 = tpu.matmul %convert_element_type3A_218, %div3A, %dot_general3A_219 {dimension_numbers = #tpu.dot_dimension_numbers<[1], [0], [0], [1], [0, 0, 1, 1], [], []>, precision = #tpu.contract_precision<fp32>, transpose_lhs_hint = false} : vector<256x256xf32>, vector<256x128xf32>, vector<256x128xf32> -> vector<256x128xf32>
      %sub3A_221 = arith.subf %dot_general3A_220, %div3A : vector<256x128xf32>
      %concatenate3A_222 = tpu.concatenate %div3A, %sub3A_221 in 1 : vector<256x128xf32>, vector<256x128xf32> -> vector<256x256xf32>
      %get3A_223 = arith.constant 0 : index
      %get3A_224 = arith.constant 0 : index
      %get3A_225 = vector.load %arg7[%get3A_223, %get3A_224] : memref<256x128xf32, #tpu.memory_space<vmem>>, vector<256x128xf32>
      %dot_general3A_226 = arith.constant dense<0.000000e+00> : vector<256x128xf32>
      %dot_general3A_227 = tpu.matmul %concatenate3A_222, %get3A_225, %dot_general3A_226 {dimension_numbers = #tpu.dot_dimension_numbers<[1], [0], [0], [1], [0, 0, 1, 1], [], []>, transpose_lhs_hint = false} : vector<256x256xf32>, vector<256x128xf32>, vector<256x128xf32> -> vector<256x128xf32>
      %get3A_228 = arith.constant 0 : index
      %get3A_229 = arith.constant 0 : index
      %get3A_230 = vector.load %arg8[%get3A_228, %get3A_229] : memref<1x128xf32, #tpu.memory_space<vmem>>, vector<1x128xf32>
      %add3A_231 = vector.broadcast %get3A_230 : vector<1x128xf32> to vector<256x128xf32>
      %add3A_232 = arith.addf %dot_general3A_227, %add3A_231 : vector<256x128xf32>
      %ge3A_233 = arith.constant 0.000000e+00 : f32
      %ge3A_234 = vector.broadcast %ge3A_233 : f32 to vector<256x128xf32>
      %ge3A_235 = arith.cmpf oge, %add3A_232, %ge3A_234 : vector<256x128xf32>
      %mul3A_236 = arith.constant 0.00999999977 : f32
      %mul3A_237 = vector.broadcast %mul3A_236 : f32 to vector<256x128xf32>
      %mul3A_238 = arith.mulf %mul3A_237, %add3A_232 : vector<256x128xf32>
      %select_n3A_239 = arith.select %ge3A_235, %add3A_232, %mul3A_238 : vector<256x128xi1>, vector<256x128xf32>
      %max3A_240 = arith.maximumf %max3A_198, %select_n3A_239 : vector<256x128xf32>
      %eq3A_241 = vector.broadcast %broadcast_in_dim3A_214 : vector<256x1xi32> to vector<256x256xi32>
      %eq3A_242 = arith.cmpi eq, %iota3A_80, %eq3A_241 : vector<256x256xi32>
      %jit3A_243 = arith.constant 0x7F800000 : f32
      %broadcast_in_dim3A_244 = vector.broadcast %jit3A_243 : f32 to vector<256x256xf32>
      %select_n3A_245 = arith.select %eq3A_242, %broadcast_in_dim3A_244, %select_n3A_203 : vector<256x256xi1>, vector<256x256xf32>
      %reduce_min3A_246 = arith.constant dense<0x7F800000> : vector<256xf32>
      %reduce_min3A_247 = vector.multi_reduction <minimumf>, %select_n3A_245, %reduce_min3A_246 [1] : vector<256x256xf32> to vector<256xf32>
      %broadcast_in_dim3A_248 = vector.shape_cast %reduce_min3A_247 : vector<256xf32> to vector<256x1xf32>
      %eq3A_249 = vector.broadcast %broadcast_in_dim3A_248 : vector<256x1xf32> to vector<256x256xf32>
      %eq3A_250 = arith.cmpf oeq, %select_n3A_245, %eq3A_249 : vector<256x256xf32>
      %jit3A_251 = arith.constant 256 : i32
      %broadcast_in_dim3A_252 = vector.broadcast %jit3A_251 : i32 to vector<256x256xi32>
      %select_n3A_253 = arith.select %eq3A_250, %iota3A_80, %broadcast_in_dim3A_252 : vector<256x256xi1>, vector<256x256xi32>
      %reduce_min3A_254 = arith.constant dense<2147483647> : vector<256xi32>
      %reduce_min3A_255 = vector.multi_reduction <minsi>, %select_n3A_253, %reduce_min3A_254 [1] : vector<256x256xi32> to vector<256xi32>
      %broadcast_in_dim3A_256 = vector.shape_cast %reduce_min3A_255 : vector<256xi32> to vector<256x1xi32>
      %eq3A_257 = vector.broadcast %broadcast_in_dim3A_256 : vector<256x1xi32> to vector<256x256xi32>
      %eq3A_258 = arith.cmpi eq, %iota3A_80, %eq3A_257 : vector<256x256xi32>
      %convert_element_type3A_259 = arith.extui %eq3A_258 : vector<256x256xi1> to vector<256x256xi32>
      %convert_element_type3A_260 = arith.sitofp %convert_element_type3A_259 : vector<256x256xi32> to vector<256x256xf32>
      %dot_general3A_261 = arith.constant dense<0.000000e+00> : vector<256x128xf32>
      %dot_general3A_262 = tpu.matmul %convert_element_type3A_260, %div3A, %dot_general3A_261 {dimension_numbers = #tpu.dot_dimension_numbers<[1], [0], [0], [1], [0, 0, 1, 1], [], []>, precision = #tpu.contract_precision<fp32>, transpose_lhs_hint = false} : vector<256x256xf32>, vector<256x128xf32>, vector<256x128xf32> -> vector<256x128xf32>
      %sub3A_263 = arith.subf %dot_general3A_262, %div3A : vector<256x128xf32>
      %concatenate3A_264 = tpu.concatenate %div3A, %sub3A_263 in 1 : vector<256x128xf32>, vector<256x128xf32> -> vector<256x256xf32>
      %get3A_265 = arith.constant 0 : index
      %get3A_266 = arith.constant 0 : index
      %get3A_267 = vector.load %arg7[%get3A_265, %get3A_266] : memref<256x128xf32, #tpu.memory_space<vmem>>, vector<256x128xf32>
      %dot_general3A_268 = arith.constant dense<0.000000e+00> : vector<256x128xf32>
      %dot_general3A_269 = tpu.matmul %concatenate3A_264, %get3A_267, %dot_general3A_268 {dimension_numbers = #tpu.dot_dimension_numbers<[1], [0], [0], [1], [0, 0, 1, 1], [], []>, transpose_lhs_hint = false} : vector<256x256xf32>, vector<256x128xf32>, vector<256x128xf32> -> vector<256x128xf32>
      %get3A_270 = arith.constant 0 : index
      %get3A_271 = arith.constant 0 : index
      %get3A_272 = vector.load %arg8[%get3A_270, %get3A_271] : memref<1x128xf32, #tpu.memory_space<vmem>>, vector<1x128xf32>
      %add3A_273 = vector.broadcast %get3A_272 : vector<1x128xf32> to vector<256x128xf32>
      %add3A_274 = arith.addf %dot_general3A_269, %add3A_273 : vector<256x128xf32>
      %ge3A_275 = arith.constant 0.000000e+00 : f32
      %ge3A_276 = vector.broadcast %ge3A_275 : f32 to vector<256x128xf32>
      %ge3A_277 = arith.cmpf oge, %add3A_274, %ge3A_276 : vector<256x128xf32>
      %mul3A_278 = arith.constant 0.00999999977 : f32
      %mul3A_279 = vector.broadcast %mul3A_278 : f32 to vector<256x128xf32>
      %mul3A_280 = arith.mulf %mul3A_279, %add3A_274 : vector<256x128xf32>
      %select_n3A_281 = arith.select %ge3A_277, %add3A_274, %mul3A_280 : vector<256x128xi1>, vector<256x128xf32>
      %max3A_282 = arith.maximumf %max3A_240, %select_n3A_281 : vector<256x128xf32>
      %eq3A_283 = vector.broadcast %broadcast_in_dim3A_256 : vector<256x1xi32> to vector<256x256xi32>
      %eq3A_284 = arith.cmpi eq, %iota3A_80, %eq3A_283 : vector<256x256xi32>
      %jit3A_285 = arith.constant 0x7F800000 : f32
      %broadcast_in_dim3A_286 = vector.broadcast %jit3A_285 : f32 to vector<256x256xf32>
      %select_n3A_287 = arith.select %eq3A_284, %broadcast_in_dim3A_286, %select_n3A_245 : vector<256x256xi1>, vector<256x256xf32>
      %reduce_min3A_288 = arith.constant dense<0x7F800000> : vector<256xf32>
      %reduce_min3A_289 = vector.multi_reduction <minimumf>, %select_n3A_287, %reduce_min3A_288 [1] : vector<256x256xf32> to vector<256xf32>
      %broadcast_in_dim3A_290 = vector.shape_cast %reduce_min3A_289 : vector<256xf32> to vector<256x1xf32>
      %eq3A_291 = vector.broadcast %broadcast_in_dim3A_290 : vector<256x1xf32> to vector<256x256xf32>
      %eq3A_292 = arith.cmpf oeq, %select_n3A_287, %eq3A_291 : vector<256x256xf32>
      %jit3A_293 = arith.constant 256 : i32
      %broadcast_in_dim3A_294 = vector.broadcast %jit3A_293 : i32 to vector<256x256xi32>
      %select_n3A_295 = arith.select %eq3A_292, %iota3A_80, %broadcast_in_dim3A_294 : vector<256x256xi1>, vector<256x256xi32>
      %reduce_min3A_296 = arith.constant dense<2147483647> : vector<256xi32>
      %reduce_min3A_297 = vector.multi_reduction <minsi>, %select_n3A_295, %reduce_min3A_296 [1] : vector<256x256xi32> to vector<256xi32>
      %broadcast_in_dim3A_298 = vector.shape_cast %reduce_min3A_297 : vector<256xi32> to vector<256x1xi32>
      %eq3A_299 = vector.broadcast %broadcast_in_dim3A_298 : vector<256x1xi32> to vector<256x256xi32>
      %eq3A_300 = arith.cmpi eq, %iota3A_80, %eq3A_299 : vector<256x256xi32>
      %convert_element_type3A_301 = arith.extui %eq3A_300 : vector<256x256xi1> to vector<256x256xi32>
      %convert_element_type3A_302 = arith.sitofp %convert_element_type3A_301 : vector<256x256xi32> to vector<256x256xf32>
      %dot_general3A_303 = arith.constant dense<0.000000e+00> : vector<256x128xf32>
      %dot_general3A_304 = tpu.matmul %convert_element_type3A_302, %div3A, %dot_general3A_303 {dimension_numbers = #tpu.dot_dimension_numbers<[1], [0], [0], [1], [0, 0, 1, 1], [], []>, precision = #tpu.contract_precision<fp32>, transpose_lhs_hint = false} : vector<256x256xf32>, vector<256x128xf32>, vector<256x128xf32> -> vector<256x128xf32>
      %sub3A_305 = arith.subf %dot_general3A_304, %div3A : vector<256x128xf32>
      %concatenate3A_306 = tpu.concatenate %div3A, %sub3A_305 in 1 : vector<256x128xf32>, vector<256x128xf32> -> vector<256x256xf32>
      %get3A_307 = arith.constant 0 : index
      %get3A_308 = arith.constant 0 : index
      %get3A_309 = vector.load %arg7[%get3A_307, %get3A_308] : memref<256x128xf32, #tpu.memory_space<vmem>>, vector<256x128xf32>
      %dot_general3A_310 = arith.constant dense<0.000000e+00> : vector<256x128xf32>
      %dot_general3A_311 = tpu.matmul %concatenate3A_306, %get3A_309, %dot_general3A_310 {dimension_numbers = #tpu.dot_dimension_numbers<[1], [0], [0], [1], [0, 0, 1, 1], [], []>, transpose_lhs_hint = false} : vector<256x256xf32>, vector<256x128xf32>, vector<256x128xf32> -> vector<256x128xf32>
      %get3A_312 = arith.constant 0 : index
      %get3A_313 = arith.constant 0 : index
      %get3A_314 = vector.load %arg8[%get3A_312, %get3A_313] : memref<1x128xf32, #tpu.memory_space<vmem>>, vector<1x128xf32>
      %add3A_315 = vector.broadcast %get3A_314 : vector<1x128xf32> to vector<256x128xf32>
      %add3A_316 = arith.addf %dot_general3A_311, %add3A_315 : vector<256x128xf32>
      %ge3A_317 = arith.constant 0.000000e+00 : f32
      %ge3A_318 = vector.broadcast %ge3A_317 : f32 to vector<256x128xf32>
      %ge3A_319 = arith.cmpf oge, %add3A_316, %ge3A_318 : vector<256x128xf32>
      %mul3A_320 = arith.constant 0.00999999977 : f32
      %mul3A_321 = vector.broadcast %mul3A_320 : f32 to vector<256x128xf32>
      %mul3A_322 = arith.mulf %mul3A_321, %add3A_316 : vector<256x128xf32>
      %select_n3A_323 = arith.select %ge3A_319, %add3A_316, %mul3A_322 : vector<256x128xi1>, vector<256x128xf32>
      %max3A_324 = arith.maximumf %max3A_282, %select_n3A_323 : vector<256x128xf32>
      %eq3A_325 = vector.broadcast %broadcast_in_dim3A_298 : vector<256x1xi32> to vector<256x256xi32>
      %eq3A_326 = arith.cmpi eq, %iota3A_80, %eq3A_325 : vector<256x256xi32>
      %jit3A_327 = arith.constant 0x7F800000 : f32
      %broadcast_in_dim3A_328 = vector.broadcast %jit3A_327 : f32 to vector<256x256xf32>
      %select_n3A_329 = arith.select %eq3A_326, %broadcast_in_dim3A_328, %select_n3A_287 : vector<256x256xi1>, vector<256x256xf32>
      %reduce_min3A_330 = arith.constant dense<0x7F800000> : vector<256xf32>
      %reduce_min3A_331 = vector.multi_reduction <minimumf>, %select_n3A_329, %reduce_min3A_330 [1] : vector<256x256xf32> to vector<256xf32>
      %broadcast_in_dim3A_332 = vector.shape_cast %reduce_min3A_331 : vector<256xf32> to vector<256x1xf32>
      %eq3A_333 = vector.broadcast %broadcast_in_dim3A_332 : vector<256x1xf32> to vector<256x256xf32>
      %eq3A_334 = arith.cmpf oeq, %select_n3A_329, %eq3A_333 : vector<256x256xf32>
      %jit3A_335 = arith.constant 256 : i32
      %broadcast_in_dim3A_336 = vector.broadcast %jit3A_335 : i32 to vector<256x256xi32>
      %select_n3A_337 = arith.select %eq3A_334, %iota3A_80, %broadcast_in_dim3A_336 : vector<256x256xi1>, vector<256x256xi32>
      %reduce_min3A_338 = arith.constant dense<2147483647> : vector<256xi32>
      %reduce_min3A_339 = vector.multi_reduction <minsi>, %select_n3A_337, %reduce_min3A_338 [1] : vector<256x256xi32> to vector<256xi32>
      %broadcast_in_dim3A_340 = vector.shape_cast %reduce_min3A_339 : vector<256xi32> to vector<256x1xi32>
      %eq3A_341 = vector.broadcast %broadcast_in_dim3A_340 : vector<256x1xi32> to vector<256x256xi32>
      %eq3A_342 = arith.cmpi eq, %iota3A_80, %eq3A_341 : vector<256x256xi32>
      %convert_element_type3A_343 = arith.extui %eq3A_342 : vector<256x256xi1> to vector<256x256xi32>
      %convert_element_type3A_344 = arith.sitofp %convert_element_type3A_343 : vector<256x256xi32> to vector<256x256xf32>
      %dot_general3A_345 = arith.constant dense<0.000000e+00> : vector<256x128xf32>
      %dot_general3A_346 = tpu.matmul %convert_element_type3A_344, %div3A, %dot_general3A_345 {dimension_numbers = #tpu.dot_dimension_numbers<[1], [0], [0], [1], [0, 0, 1, 1], [], []>, precision = #tpu.contract_precision<fp32>, transpose_lhs_hint = false} : vector<256x256xf32>, vector<256x128xf32>, vector<256x128xf32> -> vector<256x128xf32>
      %sub3A_347 = arith.subf %dot_general3A_346, %div3A : vector<256x128xf32>
      %concatenate3A_348 = tpu.concatenate %div3A, %sub3A_347 in 1 : vector<256x128xf32>, vector<256x128xf32> -> vector<256x256xf32>
      %get3A_349 = arith.constant 0 : index
      %get3A_350 = arith.constant 0 : index
      %get3A_351 = vector.load %arg7[%get3A_349, %get3A_350] : memref<256x128xf32, #tpu.memory_space<vmem>>, vector<256x128xf32>
      %dot_general3A_352 = arith.constant dense<0.000000e+00> : vector<256x128xf32>
      %dot_general3A_353 = tpu.matmul %concatenate3A_348, %get3A_351, %dot_general3A_352 {dimension_numbers = #tpu.dot_dimension_numbers<[1], [0], [0], [1], [0, 0, 1, 1], [], []>, transpose_lhs_hint = false} : vector<256x256xf32>, vector<256x128xf32>, vector<256x128xf32> -> vector<256x128xf32>
      %get3A_354 = arith.constant 0 : index
      %get3A_355 = arith.constant 0 : index
      %get3A_356 = vector.load %arg8[%get3A_354, %get3A_355] : memref<1x128xf32, #tpu.memory_space<vmem>>, vector<1x128xf32>
      %add3A_357 = vector.broadcast %get3A_356 : vector<1x128xf32> to vector<256x128xf32>
      %add3A_358 = arith.addf %dot_general3A_353, %add3A_357 : vector<256x128xf32>
      %ge3A_359 = arith.constant 0.000000e+00 : f32
      %ge3A_360 = vector.broadcast %ge3A_359 : f32 to vector<256x128xf32>
      %ge3A_361 = arith.cmpf oge, %add3A_358, %ge3A_360 : vector<256x128xf32>
      %mul3A_362 = arith.constant 0.00999999977 : f32
      %mul3A_363 = vector.broadcast %mul3A_362 : f32 to vector<256x128xf32>
      %mul3A_364 = arith.mulf %mul3A_363, %add3A_358 : vector<256x128xf32>
      %select_n3A_365 = arith.select %ge3A_361, %add3A_358, %mul3A_364 : vector<256x128xi1>, vector<256x128xf32>
      %max3A_366 = arith.maximumf %max3A_324, %select_n3A_365 : vector<256x128xf32>
      %eq3A_367 = vector.broadcast %broadcast_in_dim3A_340 : vector<256x1xi32> to vector<256x256xi32>
      %eq3A_368 = arith.cmpi eq, %iota3A_80, %eq3A_367 : vector<256x256xi32>
      %jit3A_369 = arith.constant 0x7F800000 : f32
      %broadcast_in_dim3A_370 = vector.broadcast %jit3A_369 : f32 to vector<256x256xf32>
      %select_n3A_371 = arith.select %eq3A_368, %broadcast_in_dim3A_370, %select_n3A_329 : vector<256x256xi1>, vector<256x256xf32>
      %reduce_min3A_372 = arith.constant dense<0x7F800000> : vector<256xf32>
      %reduce_min3A_373 = vector.multi_reduction <minimumf>, %select_n3A_371, %reduce_min3A_372 [1] : vector<256x256xf32> to vector<256xf32>
      %broadcast_in_dim3A_374 = vector.shape_cast %reduce_min3A_373 : vector<256xf32> to vector<256x1xf32>
      %eq3A_375 = vector.broadcast %broadcast_in_dim3A_374 : vector<256x1xf32> to vector<256x256xf32>
      %eq3A_376 = arith.cmpf oeq, %select_n3A_371, %eq3A_375 : vector<256x256xf32>
      %jit3A_377 = arith.constant 256 : i32
      %broadcast_in_dim3A_378 = vector.broadcast %jit3A_377 : i32 to vector<256x256xi32>
      %select_n3A_379 = arith.select %eq3A_376, %iota3A_80, %broadcast_in_dim3A_378 : vector<256x256xi1>, vector<256x256xi32>
      %reduce_min3A_380 = arith.constant dense<2147483647> : vector<256xi32>
      %reduce_min3A_381 = vector.multi_reduction <minsi>, %select_n3A_379, %reduce_min3A_380 [1] : vector<256x256xi32> to vector<256xi32>
      %broadcast_in_dim3A_382 = vector.shape_cast %reduce_min3A_381 : vector<256xi32> to vector<256x1xi32>
      %eq3A_383 = vector.broadcast %broadcast_in_dim3A_382 : vector<256x1xi32> to vector<256x256xi32>
      %eq3A_384 = arith.cmpi eq, %iota3A_80, %eq3A_383 : vector<256x256xi32>
      %convert_element_type3A_385 = arith.extui %eq3A_384 : vector<256x256xi1> to vector<256x256xi32>
      %convert_element_type3A_386 = arith.sitofp %convert_element_type3A_385 : vector<256x256xi32> to vector<256x256xf32>
      %dot_general3A_387 = arith.constant dense<0.000000e+00> : vector<256x128xf32>
      %dot_general3A_388 = tpu.matmul %convert_element_type3A_386, %div3A, %dot_general3A_387 {dimension_numbers = #tpu.dot_dimension_numbers<[1], [0], [0], [1], [0, 0, 1, 1], [], []>, precision = #tpu.contract_precision<fp32>, transpose_lhs_hint = false} : vector<256x256xf32>, vector<256x128xf32>, vector<256x128xf32> -> vector<256x128xf32>
      %sub3A_389 = arith.subf %dot_general3A_388, %div3A : vector<256x128xf32>
      %concatenate3A_390 = tpu.concatenate %div3A, %sub3A_389 in 1 : vector<256x128xf32>, vector<256x128xf32> -> vector<256x256xf32>
      %get3A_391 = arith.constant 0 : index
      %get3A_392 = arith.constant 0 : index
      %get3A_393 = vector.load %arg7[%get3A_391, %get3A_392] : memref<256x128xf32, #tpu.memory_space<vmem>>, vector<256x128xf32>
      %dot_general3A_394 = arith.constant dense<0.000000e+00> : vector<256x128xf32>
      %dot_general3A_395 = tpu.matmul %concatenate3A_390, %get3A_393, %dot_general3A_394 {dimension_numbers = #tpu.dot_dimension_numbers<[1], [0], [0], [1], [0, 0, 1, 1], [], []>, transpose_lhs_hint = false} : vector<256x256xf32>, vector<256x128xf32>, vector<256x128xf32> -> vector<256x128xf32>
      %get3A_396 = arith.constant 0 : index
      %get3A_397 = arith.constant 0 : index
      %get3A_398 = vector.load %arg8[%get3A_396, %get3A_397] : memref<1x128xf32, #tpu.memory_space<vmem>>, vector<1x128xf32>
      %add3A_399 = vector.broadcast %get3A_398 : vector<1x128xf32> to vector<256x128xf32>
      %add3A_400 = arith.addf %dot_general3A_395, %add3A_399 : vector<256x128xf32>
      %ge3A_401 = arith.constant 0.000000e+00 : f32
      %ge3A_402 = vector.broadcast %ge3A_401 : f32 to vector<256x128xf32>
      %ge3A_403 = arith.cmpf oge, %add3A_400, %ge3A_402 : vector<256x128xf32>
      %mul3A_404 = arith.constant 0.00999999977 : f32
      %mul3A_405 = vector.broadcast %mul3A_404 : f32 to vector<256x128xf32>
      %mul3A_406 = arith.mulf %mul3A_405, %add3A_400 : vector<256x128xf32>
      %select_n3A_407 = arith.select %ge3A_403, %add3A_400, %mul3A_406 : vector<256x128xi1>, vector<256x128xf32>
      %max3A_408 = arith.maximumf %max3A_366, %select_n3A_407 : vector<256x128xf32>
      %eq3A_409 = vector.broadcast %broadcast_in_dim3A_382 : vector<256x1xi32> to vector<256x256xi32>
      %eq3A_410 = arith.cmpi eq, %iota3A_80, %eq3A_409 : vector<256x256xi32>
      %jit3A_411 = arith.constant 0x7F800000 : f32
      %broadcast_in_dim3A_412 = vector.broadcast %jit3A_411 : f32 to vector<256x256xf32>
      %select_n3A_413 = arith.select %eq3A_410, %broadcast_in_dim3A_412, %select_n3A_371 : vector<256x256xi1>, vector<256x256xf32>
      %reduce_min3A_414 = arith.constant dense<0x7F800000> : vector<256xf32>
      %reduce_min3A_415 = vector.multi_reduction <minimumf>, %select_n3A_413, %reduce_min3A_414 [1] : vector<256x256xf32> to vector<256xf32>
      %broadcast_in_dim3A_416 = vector.shape_cast %reduce_min3A_415 : vector<256xf32> to vector<256x1xf32>
      %eq3A_417 = vector.broadcast %broadcast_in_dim3A_416 : vector<256x1xf32> to vector<256x256xf32>
      %eq3A_418 = arith.cmpf oeq, %select_n3A_413, %eq3A_417 : vector<256x256xf32>
      %jit3A_419 = arith.constant 256 : i32
      %broadcast_in_dim3A_420 = vector.broadcast %jit3A_419 : i32 to vector<256x256xi32>
      %select_n3A_421 = arith.select %eq3A_418, %iota3A_80, %broadcast_in_dim3A_420 : vector<256x256xi1>, vector<256x256xi32>
      %reduce_min3A_422 = arith.constant dense<2147483647> : vector<256xi32>
      %reduce_min3A_423 = vector.multi_reduction <minsi>, %select_n3A_421, %reduce_min3A_422 [1] : vector<256x256xi32> to vector<256xi32>
      %broadcast_in_dim3A_424 = vector.shape_cast %reduce_min3A_423 : vector<256xi32> to vector<256x1xi32>
      %eq3A_425 = vector.broadcast %broadcast_in_dim3A_424 : vector<256x1xi32> to vector<256x256xi32>
      %eq3A_426 = arith.cmpi eq, %iota3A_80, %eq3A_425 : vector<256x256xi32>
      %convert_element_type3A_427 = arith.extui %eq3A_426 : vector<256x256xi1> to vector<256x256xi32>
      %convert_element_type3A_428 = arith.sitofp %convert_element_type3A_427 : vector<256x256xi32> to vector<256x256xf32>
      %dot_general3A_429 = arith.constant dense<0.000000e+00> : vector<256x128xf32>
      %dot_general3A_430 = tpu.matmul %convert_element_type3A_428, %div3A, %dot_general3A_429 {dimension_numbers = #tpu.dot_dimension_numbers<[1], [0], [0], [1], [0, 0, 1, 1], [], []>, precision = #tpu.contract_precision<fp32>, transpose_lhs_hint = false} : vector<256x256xf32>, vector<256x128xf32>, vector<256x128xf32> -> vector<256x128xf32>
      %sub3A_431 = arith.subf %dot_general3A_430, %div3A : vector<256x128xf32>
      %concatenate3A_432 = tpu.concatenate %div3A, %sub3A_431 in 1 : vector<256x128xf32>, vector<256x128xf32> -> vector<256x256xf32>
      %get3A_433 = arith.constant 0 : index
      %get3A_434 = arith.constant 0 : index
      %get3A_435 = vector.load %arg7[%get3A_433, %get3A_434] : memref<256x128xf32, #tpu.memory_space<vmem>>, vector<256x128xf32>
      %dot_general3A_436 = arith.constant dense<0.000000e+00> : vector<256x128xf32>
      %dot_general3A_437 = tpu.matmul %concatenate3A_432, %get3A_435, %dot_general3A_436 {dimension_numbers = #tpu.dot_dimension_numbers<[1], [0], [0], [1], [0, 0, 1, 1], [], []>, transpose_lhs_hint = false} : vector<256x256xf32>, vector<256x128xf32>, vector<256x128xf32> -> vector<256x128xf32>
      %get3A_438 = arith.constant 0 : index
      %get3A_439 = arith.constant 0 : index
      %get3A_440 = vector.load %arg8[%get3A_438, %get3A_439] : memref<1x128xf32, #tpu.memory_space<vmem>>, vector<1x128xf32>
      %add3A_441 = vector.broadcast %get3A_440 : vector<1x128xf32> to vector<256x128xf32>
      %add3A_442 = arith.addf %dot_general3A_437, %add3A_441 : vector<256x128xf32>
      %ge3A_443 = arith.constant 0.000000e+00 : f32
      %ge3A_444 = vector.broadcast %ge3A_443 : f32 to vector<256x128xf32>
      %ge3A_445 = arith.cmpf oge, %add3A_442, %ge3A_444 : vector<256x128xf32>
      %mul3A_446 = arith.constant 0.00999999977 : f32
      %mul3A_447 = vector.broadcast %mul3A_446 : f32 to vector<256x128xf32>
      %mul3A_448 = arith.mulf %mul3A_447, %add3A_442 : vector<256x128xf32>
      %select_n3A_449 = arith.select %ge3A_445, %add3A_442, %mul3A_448 : vector<256x128xi1>, vector<256x128xf32>
      %max3A_450 = arith.maximumf %max3A_408, %select_n3A_449 : vector<256x128xf32>
      %eq3A_451 = vector.broadcast %broadcast_in_dim3A_424 : vector<256x1xi32> to vector<256x256xi32>
      %eq3A_452 = arith.cmpi eq, %iota3A_80, %eq3A_451 : vector<256x256xi32>
      %jit3A_453 = arith.constant 0x7F800000 : f32
      %broadcast_in_dim3A_454 = vector.broadcast %jit3A_453 : f32 to vector<256x256xf32>
      %select_n3A_455 = arith.select %eq3A_452, %broadcast_in_dim3A_454, %select_n3A_413 : vector<256x256xi1>, vector<256x256xf32>
      %reduce_min3A_456 = arith.constant dense<0x7F800000> : vector<256xf32>
      %reduce_min3A_457 = vector.multi_reduction <minimumf>, %select_n3A_455, %reduce_min3A_456 [1] : vector<256x256xf32> to vector<256xf32>
      %broadcast_in_dim3A_458 = vector.shape_cast %reduce_min3A_457 : vector<256xf32> to vector<256x1xf32>
      %eq3A_459 = vector.broadcast %broadcast_in_dim3A_458 : vector<256x1xf32> to vector<256x256xf32>
      %eq3A_460 = arith.cmpf oeq, %select_n3A_455, %eq3A_459 : vector<256x256xf32>
      %jit3A_461 = arith.constant 256 : i32
      %broadcast_in_dim3A_462 = vector.broadcast %jit3A_461 : i32 to vector<256x256xi32>
      %select_n3A_463 = arith.select %eq3A_460, %iota3A_80, %broadcast_in_dim3A_462 : vector<256x256xi1>, vector<256x256xi32>
      %reduce_min3A_464 = arith.constant dense<2147483647> : vector<256xi32>
      %reduce_min3A_465 = vector.multi_reduction <minsi>, %select_n3A_463, %reduce_min3A_464 [1] : vector<256x256xi32> to vector<256xi32>
      %broadcast_in_dim3A_466 = vector.shape_cast %reduce_min3A_465 : vector<256xi32> to vector<256x1xi32>
      %eq3A_467 = vector.broadcast %broadcast_in_dim3A_466 : vector<256x1xi32> to vector<256x256xi32>
      %eq3A_468 = arith.cmpi eq, %iota3A_80, %eq3A_467 : vector<256x256xi32>
      %convert_element_type3A_469 = arith.extui %eq3A_468 : vector<256x256xi1> to vector<256x256xi32>
      %convert_element_type3A_470 = arith.sitofp %convert_element_type3A_469 : vector<256x256xi32> to vector<256x256xf32>
      %dot_general3A_471 = arith.constant dense<0.000000e+00> : vector<256x128xf32>
      %dot_general3A_472 = tpu.matmul %convert_element_type3A_470, %div3A, %dot_general3A_471 {dimension_numbers = #tpu.dot_dimension_numbers<[1], [0], [0], [1], [0, 0, 1, 1], [], []>, precision = #tpu.contract_precision<fp32>, transpose_lhs_hint = false} : vector<256x256xf32>, vector<256x128xf32>, vector<256x128xf32> -> vector<256x128xf32>
      %sub3A_473 = arith.subf %dot_general3A_472, %div3A : vector<256x128xf32>
      %concatenate3A_474 = tpu.concatenate %div3A, %sub3A_473 in 1 : vector<256x128xf32>, vector<256x128xf32> -> vector<256x256xf32>
      %get3A_475 = arith.constant 0 : index
      %get3A_476 = arith.constant 0 : index
      %get3A_477 = vector.load %arg7[%get3A_475, %get3A_476] : memref<256x128xf32, #tpu.memory_space<vmem>>, vector<256x128xf32>
      %dot_general3A_478 = arith.constant dense<0.000000e+00> : vector<256x128xf32>
      %dot_general3A_479 = tpu.matmul %concatenate3A_474, %get3A_477, %dot_general3A_478 {dimension_numbers = #tpu.dot_dimension_numbers<[1], [0], [0], [1], [0, 0, 1, 1], [], []>, transpose_lhs_hint = false} : vector<256x256xf32>, vector<256x128xf32>, vector<256x128xf32> -> vector<256x128xf32>
      %get3A_480 = arith.constant 0 : index
      %get3A_481 = arith.constant 0 : index
      %get3A_482 = vector.load %arg8[%get3A_480, %get3A_481] : memref<1x128xf32, #tpu.memory_space<vmem>>, vector<1x128xf32>
      %add3A_483 = vector.broadcast %get3A_482 : vector<1x128xf32> to vector<256x128xf32>
      %add3A_484 = arith.addf %dot_general3A_479, %add3A_483 : vector<256x128xf32>
      %ge3A_485 = arith.constant 0.000000e+00 : f32
      %ge3A_486 = vector.broadcast %ge3A_485 : f32 to vector<256x128xf32>
      %ge3A_487 = arith.cmpf oge, %add3A_484, %ge3A_486 : vector<256x128xf32>
      %mul3A_488 = arith.constant 0.00999999977 : f32
      %mul3A_489 = vector.broadcast %mul3A_488 : f32 to vector<256x128xf32>
      %mul3A_490 = arith.mulf %mul3A_489, %add3A_484 : vector<256x128xf32>
      %select_n3A_491 = arith.select %ge3A_487, %add3A_484, %mul3A_490 : vector<256x128xi1>, vector<256x128xf32>
      %max3A_492 = arith.maximumf %max3A_450, %select_n3A_491 : vector<256x128xf32>
      %swap3A_493 = arith.constant 0 : index
      %swap3A_494 = arith.constant 0 : index
      %swap3A_495 = vector.load %arg9[%swap3A_493, %swap3A_494] : memref<256x128xf32, #tpu.memory_space<vmem>>, vector<256x128xf32>
      tpu.vector_store %arg9[%swap3A_493, %swap3A_494], %max3A_492 {strides = array<i32>} : memref<256x128xf32, #tpu.memory_space<vmem>>, vector<256x128xf32>,
    } else {
    }
    return
  }
  func.func @transform_0(%arg0: i32) -> (i32, i32, i32) {
    %c0_i32 = arith.constant 0 : i32
    %c0_i32_0 = arith.constant 0 : i32
    %c0_i32_1 = arith.constant 0 : i32
    return %c0_i32, %arg0, %c0_i32_0 : i32, i32, i32
  }
  func.func @transform_1(%arg0: i32) -> (i32, i32) {
    %c0_i32 = arith.constant 0 : i32
    %c0_i32_0 = arith.constant 0 : i32
    return %arg0, %c0_i32 : i32, i32
  }
  func.func @transform_2(%arg0: i32) -> (i32, i32) {
    %c0_i32 = arith.constant 0 : i32
    %c0_i32_0 = arith.constant 0 : i32
    %c0_i32_1 = arith.constant 0 : i32
    return %c0_i32, %c0_i32_0 : i32, i32
  }
  func.func @transform_3(%arg0: i32) -> (i32, i32) {
    %c0_i32 = arith.constant 0 : i32
    %c0_i32_0 = arith.constant 0 : i32
    %c0_i32_1 = arith.constant 0 : i32
    return %c0_i32, %c0_i32_0 : i32, i32
  }
  func.func @transform_4(%arg0: i32) -> (i32, i32) {
    %c0_i32 = arith.constant 0 : i32
    %c0_i32_0 = arith.constant 0 : i32
    %c0_i32_1 = arith.constant 0 : i32
    return %c0_i32, %c0_i32_0 : i32, i32
  }
  func.func @transform_5(%arg0: i32) -> (i32, i32) {
    %c0_i32 = arith.constant 0 : i32
    %c0_i32_0 = arith.constant 0 : i32
    return %arg0, %c0_i32 : i32, i32
  }
  func.func @transform_6(%arg0: i32) -> (i32, i32) {
    %c0_i32 = arith.constant 0 : i32
    %c0_i32_0 = arith.constant 0 : i32
    %c0_i32_1 = arith.constant 0 : i32
    return %c0_i32, %c0_i32_0 : i32, i32
  }
  func.func @transform_7(%arg0: i32) -> (i32, i32) {
    %c0_i32 = arith.constant 0 : i32
    %c0_i32_0 = arith.constant 0 : i32
    %c0_i32_1 = arith.constant 0 : i32
    return %c0_i32, %c0_i32_0 : i32, i32
  }
  func.func @transform_8(%arg0: i32) -> (i32, i32) {
    %c0_i32 = arith.constant 0 : i32
    %c0_i32_0 = arith.constant 0 : i32
    %c0_i32_1 = arith.constant 0 : i32
    return %c0_i32, %c0_i32_0 : i32, i32
  }
}

</mosaic_0001>

<sc_bundles>
// kernel: kernel.6.cloned.1.call-start
scs
__scs_entry_jumppad:
0x0: {  	(pc) =	sbr.rel $0x88, $3  }
0x1: {  	(tag) =	ssettag $0x0;
	lr =	simm.s32 $0x1  }
0x2: {  	[smem:$0x3F96] =	sst lr;
	_ =	strace $0xD0000000  }
0x3: {  	_ = 	snop  }
0x4: {  	_ = 	snop  }
0x5: {  	_ = 	snop  }
0x6: {  	_ = 	snop  }
0x7: {  	_ = 	snop  }
__scs_overlays_trampoline_lowered:
0x8: {  	[smem:$0x3FA5] =	sst s0  }
0x9: {  	[smem:$0x3FA6] =	sst s1  }
0xa: {  	[smem:$0x3FA7] =	sst s2  }
0xb: {  	[smem:$0x3FA8] =	sst s3  }
0xc: {  	[smem:$0x3FA9] =	sst s4  }
0xd: {  	[smem:$0x3FAA] =	sst s5  }
0xe: {  	[smem:$0x3FAB] =	sst s6  }
0xf: {  	[smem:$0x3FAC] =	sst s7  }
0x10: {  	[smem:$0x3FAD] =	sst s8  }
0x11: {  	[smem:$0x3FAE] =	sst s9;
	s0 =	simm.s32 @!p0 $0x0  }
0x12: {  	s1 =	sld [smem:$0x3F94];
	s0 =	simm.s32 @p0 $0x1  }
0x13: {  	[smem:$0x3FAF] =	sst s0;
	s0 =	simm.s32 @!p1 $0x0  }
0x14: {  	s2 =	sld [smem:$0x3F93];
	s0 =	simm.s32 @p1 $0x1  }
0x15: {  	[smem:$0x3FB0] =	sst s0;
	s0 =	simm.s32 @!p2 $0x0  }
0x16: {  	s3 =	sld [smem:$0x3FDB];
	s0 =	simm.s32 @p2 $0x1  }
0x17: {  	s4 =	simm.s32 $0x1BF5;
	[smem:$0x3FB2] =	sst s0  }
0x18: {  	s0 =	sld [smem:$0x3F95];
	_ =	swait.ge [sflag:s4], $0x0  }
0x19: {  	s7 =	sld [smem:$0x3F96]  }
0x1a: {  	s8 =	sadd.s32 $0xFFFFE003, lr  }
0x1b: {  	s9 =	sadd.s32 $0xFFFFFEF7, lr;
	s5 =	simm.s32 $0xFFFFFFFF;
	p2 =	slt.u32 s8, $0xFFFFF086  }
0x1c: {  	p1 =	slt.u32 s9, $0xF7A;
	s5 =	simm.s32 @!p2 $0x0  }
0x1d: {  	s5 =	simm.s32 @p1 $0x1;
	p0 =	seq.s32 s7, s2  }
0x1e: {  	s7 =	smul.u32 @!p0 $0xF7A, s2;
	p2 =	seq.s32 @!p0 s5, $0x0  }
0x1f: {  	s9 =	smul.u32 $0xF7A, s1;
	s8 =	simm.s32 @!p0 $0x1BF5;
	p2 =	por !p2, p0  }
0x20: {  	[sflag:s8] =	ssyncset.s32 @!p0 $0xFFFFF086;
	s6 =	sadd.s32 @!p0 s3, s7;
	s7 =	simm.s32 @!p0 $0x108  }
0x21: {  	s3 =	sadd.s32 s3, s9;
	s6 =	sadd.s32 @!p0 $0x88, s6;
	s7 =	simm.s32 @p2 $0x1082  }
0x22: {  	[simem:s7], [sflag:s8] =	dma.local @!p0 [hbm:s6], $0xF7A  }
0x23: {  	s9 =	sor.u32 $0xD0000000, s2;
	s6 =	simm.s32 $0x108;
	_ =	swait.ge @!p0 [sflag:s8], $0x0  }
0x24: {  	s3 =	sadd.s32 $0x88, s3;
	s6 =	simm.s32 @!p1 $0x1082;
	[sflag:s4] =	ssyncset.s32 $0xFFFFF086  }
0x25: {  	[simem:s6], [sflag:s4] =	dma.local [hbm:s3], $0xF7A  }
0x26: {  	[smem:$0x3F96] =	sst s1;
	(tag) =	ssettag s2;
	_ =	strace s9  }
0x27: {  	s1 =	sld [smem:$0x3FA6]  }
0x28: {  	s2 =	sld [smem:$0x3FA7]  }
0x29: {  	s4 =	sld [smem:$0x3FA9]  }
0x2a: {  	p0 =	seq.s32 s5, $0x0;
	s5 =	sld [smem:$0x3FAA]  }
0x2b: {  	s6 =	sld [smem:$0x3FAB]  }
0x2c: {  	s7 =	sld [smem:$0x3FAC]  }
0x2d: {  	s3 =	simm.s32 $0x108;
	s8 =	sld [smem:$0x3FAD]  }
0x2e: {  	s3 =	simm.s32 @!p0 $0x1082;
	s9 =	sld [smem:$0x3FAE]  }
0x2f: {  	lr =	sadd.s32 s0, s3;
	s0 =	sld [smem:$0x3FA5]  }
0x30: {  	s3 =	sld [smem:$0x3FA8]  }
0x31: {  	[smem:$0x3FB1] =	sst s10  }
0x32: {  	s10 =	sld [smem:$0x3FAF];
	_ =	sdelay $0x3  }
0x33: {  	p0 =	seq.s32 s10, $0x1;
	s10 =	sld [smem:$0x3FB1];
	_ =	sdelay $0x3  }
0x34: {  	[smem:$0x3FB1] =	sst s10  }
0x35: {  	s10 =	sld [smem:$0x3FB0];
	_ =	sdelay $0x3  }
0x36: {  	p1 =	seq.s32 s10, $0x1;
	s10 =	sld [smem:$0x3FB1];
	_ =	sdelay $0x3  }
0x37: {  	[smem:$0x3FB1] =	sst s10  }
0x38: {  	s10 =	sld [smem:$0x3FB2]  }
0x39: {  	_ = 	snop;
	(pc) =	sbr.ind lr, $3  }
0x3a: {  	_ = 	snop  }
0x3b: {  	_ = 	snop  }
0x3c: {  	p2 =	seq.s32 s10, $0x1;
	s10 =	sld [smem:$0x3FB1]  }
0x3d: {  	_ =	shalt  }
0x3e: {  	_ =	shalt  }
0x3f: {  	_ =	shalt  }
0x40: {  	_ =	shalt  }
0x41: {  	_ =	shalt  }
0x42: {  	_ =	shalt  }
0x43: {  	_ =	shalt  }
0x44: {  	_ =	shalt  }
0x45: {  	_ =	shalt  }
0x46: {  	_ =	shalt  }
0x47: {  	_ =	shalt  }
0x48: {  	_ =	shalt  }
0x49: {  	_ =	shalt  }
0x4a: {  	_ =	shalt  }
0x4b: {  	_ =	shalt  }
0x4c: {  	_ =	shalt  }
0x4d: {  	_ =	shalt  }
0x4e: {  	_ =	shalt  }
0x4f: {  	_ =	shalt  }
0x50: {  	_ =	shalt  }
0x51: {  	_ =	shalt  }
0x52: {  	_ =	shalt  }
0x53: {  	_ =	shalt  }
0x54: {  	_ =	shalt  }
0x55: {  	_ =	shalt  }
0x56: {  	_ =	shalt  }
0x57: {  	_ =	shalt  }
0x58: {  	_ =	shalt  }
0x59: {  	_ =	shalt  }
0x5a: {  	_ =	shalt  }
0x5b: {  	_ =	shalt  }
0x5c: {  	_ =	shalt  }
0x5d: {  	_ =	shalt  }
0x5e: {  	_ =	shalt  }
0x5f: {  	_ =	shalt  }
0x60: {  	_ =	shalt  }
0x61: {  	_ =	shalt  }
0x62: {  	_ =	shalt  }
0x63: {  	_ =	shalt  }
0x64: {  	_ =	shalt  }
0x65: {  	_ =	shalt  }
0x66: {  	_ =	shalt  }
0x67: {  	_ =	shalt  }
0x68: {  	_ =	shalt  }
0x69: {  	_ =	shalt  }
0x6a: {  	_ =	shalt  }
0x6b: {  	_ =	shalt  }
0x6c: {  	_ =	shalt  }
0x6d: {  	_ =	shalt  }
0x6e: {  	_ =	shalt  }
0x6f: {  	_ =	shalt  }
0x70: {  	_ =	shalt  }
0x71: {  	_ =	shalt  }
0x72: {  	_ =	shalt  }
0x73: {  	_ =	shalt  }
0x74: {  	_ =	shalt  }
0x75: {  	_ =	shalt  }
0x76: {  	_ =	shalt  }
0x77: {  	_ =	shalt  }
0x78: {  	_ =	shalt  }
0x79: {  	_ =	shalt  }
0x7a: {  	_ =	shalt  }
0x7b: {  	_ =	shalt  }
0x7c: {  	_ =	shalt  }
0x7d: {  	_ =	shalt  }
0x7e: {  	_ =	shalt  }
0x7f: {  	_ =	shalt  }
0x80: {  	_ =	shalt  }
0x81: {  	_ =	shalt  }
0x82: {  	_ =	shalt  }
0x83: {  	_ =	shalt  }
0x84: {  	_ =	shalt  }
0x85: {  	_ =	shalt  }
0x86: {  	_ =	shalt  }
0x87: {  	_ =	shalt  }
.Lfunc_end0:
.L_simem_size_0:
called_computation_lowered:
.L_overlay_start_0:
0x88: {  	s2 =	sld [smem:$0x3FD9]  }
0x89: {  	s3 =	sld [smem:$0x3FFE];
	_ =	sdelay $0x1  }
0x8a: {  	s1 =	srdreg.scid  }
0x8b: {  	s0 =	sand.u32 $0x1, s1  }
0x8c: {  	s17 =	sshll.u32 s0, $0xA;
	s2 =	sadd.s32 s3, s2  }
0x8d: {  	s2 =	sadd.s32 s2, s17  }
0x8e: {  	[smem:$0x3FBD] =	sst s2  }
0x8f: {  	_ = 	snop  }
0x90: {  	s2 =	sld [smem:$0x3FC9];
	(tm) =	ssettm $0x1  }
0x91: {  	s18 =	sld [smem:$0x3FFB];
	_ =	sdelay $0x3  }
0x92: {  	_ =	strace s18  }
0x93: {  	s3 =	sld [smem:$0x3FFC];
	_ =	sdelay $0x3  }
0x94: {  	_ =	strace s3  }
0x95: {  	s3 =	sld [smem:$0x3FFD];
	_ =	sdelay $0x3  }
0x96: {  	_ =	strace s3  }
0x97: {  	_ =	strace $0x8FFFFFFF  }
0x98: {  	s19 =	sld [smem:$0x3FDB];
	_ =	sdelay $0x1  }
0x99: {  	s4 =	simm.s32 $_scs_section_size  }
0x9a: {  	s5 =	simm.s32 $_size__tile_overlayer_lowered;
	s6 =	simm.s32 $_tile_overlayer_lowered  }
0x9b: {  	s22 =	simm.s32 $0x1BFF;
	s21 =	sshll.u32 s6, $0x1;
	s3 =	sadd.s32 s4, s19  }
0x9c: {  	s7 =	simm.s32 $0x0;
	s20 =	sshll.u32 s5, $0x1;
	s5 =	sadd.s32 s21, s3  }
0x9d: {  	[timem:s7], [sflag:s22] =	dma.local [hbm:s5], s20  }
0x9e: {  	_ =	swait.ge [sflag:s22], s20  }
0x9f: {  	s4 =	ssub.s32 $0x0, s20;
	[sflag:s22] =	ssyncset.done $0x0  }
0xa0: {  	[sflag:s22] =	ssyncadd.s32 s4;
	_ =	sdelay $0x1  }
0xa1: {  	s23 =	simm.s32 $0x1B8B  }
0xa2: {  	_ =	swait.ge [sflag:s23], $0x1  }
0xa3: {  	[sflag:s23] =	ssyncset.done $0x0  }
0xa4: {  	s25 =	simm.s32 $0x1B8E;
	s24 =	sld [smem:$0x3FFE];
	[sflag:s23] =	ssyncadd.s32 $0xFFFFFFFF  }
0xa5: {  	s26 =	simm.s32 $execute0_lowered;
	[smem:$0x3FD2] =	sst s25  }
0xa6: {  	s5 =	sshll.u32 s26, $0x1;
	_ =	strace $0x80000046;
	[dreg:$0x1] =	wrdreg $0xFFFFFFFF  }
0xa7: {  	s28 =	simm.s32 $_size_execute0_lowered;
	s3 =	sadd.s32 s3, s5;
	[dreg:$0x0] =	wrdreg $0x0  }
0xa8: {  	s5 =	sshll.u32 s28, $0x1;
	[dreg:$0x2] =	wrdreg s3  }
0xa9: {  	[dreg:$0x3] =	wrdreg s5  }
0xaa: {  	[dreg:$0x4] =	wrdreg $0xC0  }
0xab: {  	_ =	task [dreg:s7], $0x5FFFF  }
0xac: {  	[dreg:$0x1] =	wrdreg $0xFFFFFFFF  }
0xad: {  	[dreg:$0x0] =	wrdreg $0x60  }
0xae: {  	[dreg:$0x2] =	wrdreg s2  }
0xaf: {  	[dreg:$0x3] =	wrdreg s24  }
0xb0: {  	[dreg:$0x4] =	wrdreg $0x82000  }
0xb1: {  	[dreg:$0x5] =	wrdreg $0x9  }
0xb2: {  	_ =	task.clear_ibuf [dreg:s7], $0x6FFFF;
	_ =	strace $0x90000046  }
0xb3: {  	s29 =	simm.s32 $0x9;
	_ =	strace $0x80000048  }
0xb4: {  	_ =	swait.ge [sflag:s29], $0x1  }
0xb5: {  	[sflag:s29] =	ssyncadd.s32 $0xFFFFFFFF  }
0xb6: {  	_ =	strace $0x90000048  }
0xb7: {  	_ =	sfence  }
0xb8: {  	s30 =	sld [smem:$0x0];
	_ =	sdelay $0x2  }
0xb9: {  	s31 =	sshll.u32 s1, $0xD;
	s1 =	sshrl.u32 s1, $0x2  }
0xba: {  	s3 =	sand.u32 $0x4000, s31;
	s1 =	sadd.s32 s1, s30  }
0xbb: {  	s0 =	sor.u32 s3, s0;
	s1 =	sshll.u32 s1, $0x11  }
0xbc: {  	s0 =	sor.u32 s1, s0  }
0xbd: {  	s0 =	sadd.s32 $0x8F2B, s0  }
0xbe: {  	[sflag:s0] =	ssyncadd.remote.s32 $0x1  }
0xbf: {  	_ =	sfence.sel $0xFFFF  }
0xc0: {  	[dreg:$0x0] =	wrdreg $0xFFFFFFFF;
	(pc) =	sbr.abs _section_cstart, $3  }
0xc1: {  	[dreg:$0x1] =	wrdreg $0xFFFFFFFF  }
0xc2: {  	_ =	task.clear_ibuf [dreg:s7], $0x2FFFF;
	_ =	strace $0x9FFFFFFF  }
0xc3: {  	(tm) =	ssettm $0x7FFFFFFF  }
tec
execute0_lowered:
.L_overlay_start_1:
0x0: {  	(tag) =	ssettag $0x1  }
0x1: {  	s1 =	rddreg [dreg:$0x0]  }
0x2: {  	s0 =	rddreg [dreg:$0x1]  }
0x3: {  	s2 =	rddreg [dreg:$0x2];
	s3 =	simm.s32 $0x0;
	s20 =	srdreg.scid  }
0x4: {  	s24 =	stileid.u32;
	s19 =	simm.s32 $0x5;
	s28 =	simm.s32 $0x4200  }
0x5: {  	s29 =	simm.s32 $0x3;
	s30 =	simm.s32 $0x1;
	s31 =	simm.s32 $0x4  }
0x6: {  	[smem:$0x7FF] =	sst s3;
	s4 =	sadd.s32 $0xC000, s0;
	s5 =	sadd.s32 $0x2200, s0  }
0x7: {  	s6 =	sadd.s32 $0x15E00, s0;
	s0 =	sadd.s32 $0x3D000, s0;
	s11 =	smul.u32 $0x13C00, s24  }
0x8: {  	s7 =	sshll.u32 s24, $0x1;
	s16 =	smul.u32 $0x4F000, s24;
	s26 =	sshll.u32 s24, $0x5  }
0x9: {  	p1 =	seq.s32 s24, $0xF;
	p2 =	sgt.u32 s24, $0x1;
	_ =	strace $0x80000047  }
0xa: {  	[dreg:$0x4] =	wrdreg s6;
	s6 =	sand.u32 $0x1, s20;
	s17 =	sadd.s32 s26, s5  }
0xb: {  	s20 =	simm.s32 $0x100;
	s8 =	ssub.s32 $0x2, s6;
	s7 =	sor.u32 s6, s7  }
0xc: {  	s13 =	smul.u32 $0x138800, s6;
	s25 =	sshrl.u32 s16, $0x2;
	s6 =	sshll.u32 s6, $0x4  }
0xd: {  	s9 =	sshrl.u32 s8, $0x1;
	s10 =	sshll.u32 s7, $0x4;
	s25 =	sadd.s32 s25, s2  }
0xe: {  	s7 =	sor.u32 $0x9C0, s7;
	s17 =	sadd.s32 s6, s17;
	s14 =	ssub.s32 s8, s9  }
0xf: {  	s21 =	sadd.s32 s4, s10;
	s22 =	sadd.s32 s5, s10;
	s12 =	sor.u32 $0x200, s10  }
0x10: {  	s15 =	sadd.s32 s11, s13;
	s13 =	sshrl.u32 s13, $0x3;
	[dreg:$0x5] =	wrdreg s21  }
0x11: {  	p0 =	slt.u32 s7, $0x9C4;
	s25 =	sshrl.u32 @!p1 s25, $0x3;
	[dreg:$0x6] =	wrdreg s22  }
0x12: {  	s10 =	sadd.s32 s4, s12;
	s11 =	sadd.s32 s5, s12;
	s23 =	sshrl.u32 s15, $0x3  }
0x13: {  	s14 =	smax.u32 s14, $0x1;
	s21 =	simm.s32 $0x80;
	s22 =	simm.s32 $0x200  }
0x14: {  	s12 =	sadd.s32 s0, s23;
	s0 =	sadd.s32 s0, s13;
	s23 =	simm.s32 $0x180  }
0x15: {  	s13 =	sadd.s32 $0x25080, s0;
	s0 =	sshll.u32 s7, $0x4;
	s7 =	sadd.s32 $0x128400, s2  }
0x16: {  	s0 =	simm.s32 @!p0 $0x0;
	p0 =	sne.s32 s24, $0x0;
	s24 =	sshrl.u32 @p1 s7, $0x3  }
0x17: {  	s15 =	sadd.s32 s4, s0;
	s16 =	sadd.s32 s5, s0;
	s0 =	sadd.s32 s26, s4  }
0x18: {  	s26 =	simm.s32 $0x2;
	s18 =	sadd.s32 s6, s0;
	s0 =	simm.s32 $0x0  }
.LBB2_1:
0x19: {  	s6 =	sshrl.u32 @!p0 s2, $0x3;
	s7 =	simm.s32 @!p0 $0x1C05;
	s8 =	rddreg [dreg:$0x4]  }
0x1a: {  	[spmem:s6], [sflag:s7] =	dma.local @!p0 [hbm:s8], $0x27100  }
0x1b: {  	s6 =	simm.s32 @!p0 $0x5  }
0x1c: {  	_ =	swait.ge @!p0 [sflag:s6], $0x27100  }
0x1d: {  	[sflag:s6] =	ssyncset.done @!p0 $0x0  }
0x1e: {  	[sflag:s6] =	ssyncadd.s32 @!p0 $0xFFFD8F00  }
0x1f: {  	[bflag:$0x0] =	sbarrier.arrive $0xFFFF  }
0x20: {  	s7 =	rddreg [dreg:$0x5]  }
0x21: {  	[tilespmem:s3], [sflag:$0x5] =	stream.linear.gather [hbm4b:s7+s3], $0x80, $0x38;
	[tilespmem:$0x1BA80] =	vst v63  }
0x22: {  	_ =	swait.ge [sflag:s19], $0x80  }
0x23: {  	[sflag:s19] =	ssyncset.done $0x0  }
0x24: {  	s8 =	rddreg [dreg:$0x6];
	[sflag:s19] =	ssyncadd.s32 $0xFFFFFF80  }
0x25: {  	[tilespmem:s20], [sflag:$0x5] =	stream.linear.gather [hbm4b:s8+s3], $0x80, $0x38;
	[tilespmem:$0x1BA80] =	vst v63  }
0x26: {  	_ =	swait.ge [sflag:s19], $0x80  }
0x27: {  	[sflag:s19] =	ssyncset.done $0x0  }
0x28: {  	[sflag:s19] =	ssyncadd.s32 $0xFFFFFF80  }
0x29: {  	[tilespmem:s22], [sflag:$0x3] =	stream.indirect.gather [hbm4b:s1+s21], $0x80, s3, s21, $0xb8;
	[tilespmem:$0x1BA80] =	vst v63  }
0x2a: {  	_ = 	snop  }
0x2b: {  	[tilespmem:s21], [sflag:$0x2] =	stream.linear.gather [hbm4b:s10+s3], $0x80, $0x38;
	[tilespmem:$0x1BA80] =	vst v63  }
0x2c: {  	_ = 	snop  }
0x2d: {  	[tilespmem:s23], [sflag:$0x2] =	stream.linear.gather [hbm4b:s11+s3], $0x80, $0x38;
	[tilespmem:$0x1BA80] =	vst v63  }
0x2e: {  	_ =	swait.ge [sflag:s26], $0x80  }
0x2f: {  	[sflag:s26] =	ssyncset.done $0x0  }
0x30: {  	[sflag:s26] =	ssyncadd.s32 $0xFFFFFF80  }
0x31: {  	_ =	swait.ge [sflag:s26], $0x80  }
0x32: {  	[sflag:s26] =	ssyncset.done $0x0  }
0x33: {  	[sflag:s26] =	ssyncadd.s32 $0xFFFFFF80  }
0x34: {  	[tilespmem:s28], [sflag:$0x4] =	stream.indirect.gather [hbm4b:s1+s21], $0x80, s21, s21, $0xb8;
	[tilespmem:$0x1BA80] =	vst v63  }
0x35: {  	_ =	swait.ge [sflag:s29], $0x4000  }
0x36: {  	[sflag:s29] =	ssyncset.done $0x0  }
0x37: {  	[sflag:s29] =	ssyncadd.s32 $0xFFFFC000  }
0x38: {  	[spmem:s2] =	stream.indirect.scatter.add.f32 [tilespmem:s22], [sflag:$0x5], $0x80, s20, s21, $0xb8;
	[tilespmem:$0x1BA80] =	vst v63  }
0x39: {  	_ =	swait.ge [sflag:s19], $0x4000  }
0x3a: {  	s6 =	sadd.s32 $0x0, s18;
	[sflag:s19] =	ssyncset.done $0x0  }
0x3b: {  	s9 =	sadd.s32 $0x400, s6;
	s8 =	sadd.s32 $0x0, s17;
	[sflag:s19] =	ssyncadd.s32 $0xFFFFC000  }
0x3c: {  	[tilespmem:s3], [sflag:$0x1] =	stream.linear.gather [hbm4b:s9+s3], $0x80, $0x38;
	[tilespmem:$0x1BA80] =	vst v63  }
0x3d: {  	s9 =	sadd.s32 $0x400, s8  }
0x3e: {  	[tilespmem:s20], [sflag:$0x1] =	stream.linear.gather [hbm4b:s9+s3], $0x80, $0x38;
	[tilespmem:$0x1BA80] =	vst v63  }
0x3f: {  	_ =	swait.ge [sflag:s30], $0x80  }
0x40: {  	[sflag:s30] =	ssyncset.done $0x0  }
0x41: {  	[sflag:s30] =	ssyncadd.s32 $0xFFFFFF80  }
0x42: {  	_ =	swait.ge [sflag:s30], $0x80  }
0x43: {  	[sflag:s30] =	ssyncset.done $0x0  }
0x44: {  	[sflag:s30] =	ssyncadd.s32 $0xFFFFFF80  }
0x45: {  	[tilespmem:s22], [sflag:$0x3] =	stream.indirect.gather [hbm4b:s1+s21], $0x80, s3, s21, $0xb8;
	[tilespmem:$0x1BA80] =	vst v63  }
0x46: {  	_ =	swait.ge [sflag:s31], $0x4000  }
0x47: {  	[sflag:s31] =	ssyncset.done $0x0  }
0x48: {  	[sflag:s31] =	ssyncadd.s32 $0xFFFFC000  }
0x49: {  	[spmem:s2] =	stream.indirect.scatter.add.f32 [tilespmem:s28], [sflag:$0x5], $0x80, s23, s21, $0xb8;
	[tilespmem:$0x1BA80] =	vst v63  }
0x4a: {  	_ =	swait.ge [sflag:s19], $0x4000  }
0x4b: {  	[sflag:s19] =	ssyncset.done $0x0  }
0x4c: {  	s6 =	sadd.s32 $0x600, s6;
	[sflag:s19] =	ssyncadd.s32 $0xFFFFC000  }
0x4d: {  	[tilespmem:s21], [sflag:$0x2] =	stream.linear.gather [hbm4b:s6+s3], $0x80, $0x38;
	[tilespmem:$0x1BA80] =	vst v63  }
0x4e: {  	s7 =	simm.s32 $0x400;
	s6 =	sadd.s32 $0x600, s8  }
.LBB2_2:
0x4f: {  	[tilespmem:s23], [sflag:$0x2] =	stream.linear.gather [hbm4b:s6+s3], $0x80, $0x38;
	[tilespmem:$0x1BA80] =	vst v63  }
0x50: {  	s6 =	smov.u32 s7  }
0x51: {  	p3 =	sne.s32 s7, $0x9400;
	s7 =	sadd.s32 $0x400, s7;
	_ =	swait.ge [sflag:s26], $0x80  }
0x52: {  	[sflag:s26] =	ssyncset.done $0x0  }
0x53: {  	[sflag:s26] =	ssyncadd.s32 $0xFFFFFF80  }
0x54: {  	_ =	swait.ge [sflag:s26], $0x80  }
0x55: {  	[sflag:s26] =	ssyncset.done $0x0  }
0x56: {  	[sflag:s26] =	ssyncadd.s32 $0xFFFFFF80  }
0x57: {  	[tilespmem:s28], [sflag:$0x4] =	stream.indirect.gather [hbm4b:s1+s21], $0x80, s21, s21, $0xb8;
	[tilespmem:$0x1BA80] =	vst v63  }
0x58: {  	_ =	swait.ge [sflag:s29], $0x4000  }
0x59: {  	[sflag:s29] =	ssyncset.done $0x0  }
0x5a: {  	[sflag:s29] =	ssyncadd.s32 $0xFFFFC000  }
0x5b: {  	[spmem:s2] =	stream.indirect.scatter.add.f32 [tilespmem:s22], [sflag:$0x5], $0x80, s20, s21, $0xb8;
	[tilespmem:$0x1BA80] =	vst v63  }
0x5c: {  	_ =	swait.ge [sflag:s19], $0x4000  }
0x5d: {  	s8 =	sadd.s32 s6, s18;
	[sflag:s19] =	ssyncset.done $0x0  }
0x5e: {  	s6 =	sadd.s32 s6, s17;
	s9 =	sadd.s32 $0x400, s8;
	[sflag:s19] =	ssyncadd.s32 $0xFFFFC000  }
0x5f: {  	[tilespmem:s3], [sflag:$0x1] =	stream.linear.gather [hbm4b:s9+s3], $0x80, $0x38;
	[tilespmem:$0x1BA80] =	vst v63  }
0x60: {  	s9 =	sadd.s32 $0x400, s6  }
0x61: {  	[tilespmem:s20], [sflag:$0x1] =	stream.linear.gather [hbm4b:s9+s3], $0x80, $0x38;
	[tilespmem:$0x1BA80] =	vst v63  }
0x62: {  	_ =	swait.ge [sflag:s30], $0x80  }
0x63: {  	[sflag:s30] =	ssyncset.done $0x0  }
0x64: {  	[sflag:s30] =	ssyncadd.s32 $0xFFFFFF80  }
0x65: {  	_ =	swait.ge [sflag:s30], $0x80  }
0x66: {  	[sflag:s30] =	ssyncset.done $0x0  }
0x67: {  	[sflag:s30] =	ssyncadd.s32 $0xFFFFFF80  }
0x68: {  	[tilespmem:s22], [sflag:$0x3] =	stream.indirect.gather [hbm4b:s1+s21], $0x80, s3, s21, $0xb8;
	[tilespmem:$0x1BA80] =	vst v63  }
0x69: {  	_ =	swait.ge [sflag:s31], $0x4000  }
0x6a: {  	[sflag:s31] =	ssyncset.done $0x0  }
0x6b: {  	[sflag:s31] =	ssyncadd.s32 $0xFFFFC000  }
0x6c: {  	[spmem:s2] =	stream.indirect.scatter.add.f32 [tilespmem:s28], [sflag:$0x5], $0x80, s23, s21, $0xb8;
	[tilespmem:$0x1BA80] =	vst v63  }
.Ltmp0:
0x6d: {  	_ =	swait.ge [sflag:s19], $0x4000;
	(pc) =	sbr.rel @p3 .LBB2_2-.Ltmp0, $4  }
0x6e: {  	[sflag:s19] =	ssyncset.done $0x0  }
0x6f: {  	s8 =	sadd.s32 $0x600, s8;
	[sflag:s19] =	ssyncadd.s32 $0xFFFFC000  }
0x70: {  	[tilespmem:s21], [sflag:$0x2] =	stream.linear.gather [hbm4b:s8+s3], $0x80, $0x38;
	[tilespmem:$0x1BA80] =	vst v63  }
0x71: {  	s6 =	sadd.s32 $0x600, s6  }
0x72: {  	[tilespmem:s23], [sflag:$0x2] =	stream.linear.gather [hbm4b:s6+s3], $0x80, $0x38;
	[tilespmem:$0x1BA80] =	vst v63  }
0x73: {  	_ =	swait.ge [sflag:s26], $0x80  }
0x74: {  	[sflag:s26] =	ssyncset.done $0x0  }
0x75: {  	[sflag:s26] =	ssyncadd.s32 $0xFFFFFF80  }
0x76: {  	_ =	swait.ge [sflag:s26], $0x80  }
0x77: {  	[sflag:s26] =	ssyncset.done $0x0  }
0x78: {  	[sflag:s26] =	ssyncadd.s32 $0xFFFFFF80  }
0x79: {  	[tilespmem:s28], [sflag:$0x4] =	stream.indirect.gather [hbm4b:s1+s21], $0x80, s21, s21, $0xb8;
	[tilespmem:$0x1BA80] =	vst v63  }
0x7a: {  	_ =	swait.ge [sflag:s29], $0x4000  }
0x7b: {  	[sflag:s29] =	ssyncset.done $0x0  }
0x7c: {  	[sflag:s29] =	ssyncadd.s32 $0xFFFFC000  }
0x7d: {  	[spmem:s2] =	stream.indirect.scatter.add.f32 [tilespmem:s22], [sflag:$0x5], $0x80, s20, s21, $0xb8;
	[tilespmem:$0x1BA80] =	vst v63  }
0x7e: {  	_ =	swait.ge [sflag:s19], $0x4000  }
0x7f: {  	[sflag:s19] =	ssyncset.done $0x0  }
0x80: {  	[sflag:s19] =	ssyncadd.s32 $0xFFFFC000  }
0x81: {  	[tilespmem:s3], [sflag:$0x1] =	stream.linear.gather [hbm4b:s15+s3], $0x80, $0x38;
	[tilespmem:$0x1BA80] =	vst v63  }
0x82: {  	_ = 	snop  }
0x83: {  	[tilespmem:s20], [sflag:$0x1] =	stream.linear.gather [hbm4b:s16+s3], $0x80, $0x38;
	[tilespmem:$0x1BA80] =	vst v63  }
0x84: {  	_ =	swait.ge [sflag:s30], $0x80  }
0x85: {  	[sflag:s30] =	ssyncset.done $0x0  }
0x86: {  	[sflag:s30] =	ssyncadd.s32 $0xFFFFFF80  }
0x87: {  	_ =	swait.ge [sflag:s30], $0x80  }
0x88: {  	[sflag:s30] =	ssyncset.done $0x0  }
0x89: {  	[sflag:s30] =	ssyncadd.s32 $0xFFFFFF80  }
0x8a: {  	[tilespmem:s22], [sflag:$0x3] =	stream.indirect.gather [hbm4b:s1+s21], $0x80, s3, s21, $0xb8;
	[tilespmem:$0x1BA80] =	vst v63  }
0x8b: {  	_ =	swait.ge [sflag:s31], $0x4000  }
0x8c: {  	[sflag:s31] =	ssyncset.done $0x0  }
0x8d: {  	[sflag:s31] =	ssyncadd.s32 $0xFFFFC000  }
0x8e: {  	[spmem:s2] =	stream.indirect.scatter.add.f32 [tilespmem:s28], [sflag:$0x5], $0x80, s23, s21, $0xb8;
	[tilespmem:$0x1BA80] =	vst v63  }
0x8f: {  	_ =	swait.ge [sflag:s19], $0x4000  }
0x90: {  	[sflag:s19] =	ssyncset.done $0x0  }
0x91: {  	[sflag:s19] =	ssyncadd.s32 $0xFFFFC000  }
0x92: {  	[tilespmem:s21], [sflag:$0x2] =	stream.linear.gather [hbm4b:s4+s3], $0x80, $0x38;
	[tilespmem:$0x1BA80] =	vst v63  }
0x93: {  	_ = 	snop  }
0x94: {  	[tilespmem:s23], [sflag:$0x2] =	stream.linear.gather [hbm4b:s5+s3], $0x80, $0x38;
	[tilespmem:$0x1BA80] =	vst v63  }
0x95: {  	_ =	swait.ge [sflag:s26], $0x80  }
0x96: {  	[sflag:s26] =	ssyncset.done $0x0  }
0x97: {  	[sflag:s26] =	ssyncadd.s32 $0xFFFFFF80  }
0x98: {  	_ =	swait.ge [sflag:s26], $0x80  }
0x99: {  	[sflag:s26] =	ssyncset.done $0x0  }
0x9a: {  	[sflag:s26] =	ssyncadd.s32 $0xFFFFFF80  }
0x9b: {  	[tilespmem:s28], [sflag:$0x4] =	stream.indirect.gather [hbm4b:s1+s21], $0x80, s21, s21, $0xb8;
	[tilespmem:$0x1BA80] =	vst v63  }
0x9c: {  	_ =	swait.ge [sflag:s29], $0x4000  }
0x9d: {  	s6 =	simm.s32 @!p2 $0x80;
	[sflag:s29] =	ssyncset.done $0x0  }
0x9e: {  	s7 =	simm.s32 @!p2 $0x100;
	s8 =	simm.s32 @!p2 $0x200;
	[sflag:s29] =	ssyncadd.s32 $0xFFFFC000  }
0x9f: {  	[spmem:s2] =	stream.indirect.scatter.add.f32 @!p2 [tilespmem:s8], [sflag:$0x5], $0x80, s7, s6, $0xb8;
	[tilespmem:$0x1BA80] =	vst v63  }
0xa0: {  	s6 =	simm.s32 @!p2 $0x5  }
0xa1: {  	_ =	swait.ge @!p2 [sflag:s6], $0x4000  }
0xa2: {  	[sflag:s6] =	ssyncset.done @!p2 $0x0  }
0xa3: {  	[sflag:s6] =	ssyncadd.s32 @!p2 $0xFFFFC000  }
0xa4: {  	_ =	swait.ge [sflag:s31], $0x4000  }
0xa5: {  	[sflag:s31] =	ssyncset.done $0x0  }
0xa6: {  	[sflag:s31] =	ssyncadd.s32 $0xFFFFC000  }
0xa7: {  	s6 =	simm.s32 @p1 $0x1FC5;
	[bflag:$0x0] =	sbarrier.arrive $0xFFFF  }
0xa8: {  	[hbm:s13], [sflag:s6] =	dma.local @p1 [spmem:s24], $0x2080  }
0xa9: {  	s6 =	simm.s32 @p1 $0x5  }
0xaa: {  	s7 =	stileid.u32;
	_ =	swait.ge @p1 [sflag:s6], $0x2080  }
0xab: {  	s0 =	sadd.s32 $0x1, s0;
	s7 =	sshll.u32 @!p1 s7, $0x6;
	[sflag:s6] =	ssyncset.done @p1 $0x0  }
0xac: {  	p3 =	sne.s32 s0, s14;
	[sflag:s6] =	ssyncadd.s32 @p1 $0xFFFFDF80;
	s6 =	sor.u32 @!p1 $0x1C05, s7  }
0xad: {  	[hbm:s12], [sflag:s6] =	dma.local @!p1 [spmem:s25], $0x2780  }
.Ltmp1:
0xae: {  	_ = 	snop;
	(pc) =	sbr.rel @p3 .LBB2_1-.Ltmp1, $4  }
0xaf: {  	s6 =	simm.s32 @!p1 $0x5  }
0xb0: {  	_ =	swait.ge @!p1 [sflag:s6], $0x2780  }
0xb1: {  	[sflag:s6] =	ssyncset.done @!p1 $0x0  }
0xb2: {  	[sflag:s6] =	ssyncadd.s32 @!p1 $0xFFFFD880  }
0xb3: {  	_ =	sfence.sel $0x180000  }
0xb4: {  	[bflag:$0x0] =	sbarrier.arrive $0xFFFF  }
0xb5: {  	_ =	strace $0x90000047  }
0xb6: {  	[bflag:$0x2] =	sbarrier.arrive $0xFFFF  }
0xb7: {  	s0 =	rddreg [dreg:$0x3]  }
0xb8: {  	s0 =	sadd.s32 @!p0 $0x100000, s0  }
0xb9: {  	[sflag:s0] =	ssyncadd.tile.s32 @!p0 $0x1;
	_ =	shalt  }
.Lfunc_end2:
_tile_overlayer_lowered:
.L_overlay_start_2:
0xba: {  	(tag) =	ssettag $0x2  }
0xbb: {  	s0 =	rddreg [dreg:$0x0];
	s2 =	stileid.u32  }
0xbc: {  	s1 =	rddreg [dreg:$0x1];
	p0 =	sne.s32 s2, $0x0  }
0xbd: {  	s3 =	rddreg [dreg:$0x2];
	[bflag:$0x3] =	sbarrier.arrive $0xFFFF;
	s2 =	simm.s32 @!p0 $0x1C05  }
0xbe: {  	[timem:s3], [sflag:s2] =	dma.local @!p0 [hbm:s0], s1  }
0xbf: {  	s0 =	simm.s32 @!p0 $0x5  }
0xc0: {  	_ =	swait.ge @!p0 [sflag:s0], s1  }
0xc1: {  	s1 =	ssub.s32 @!p0 $0x0, s1;
	[sflag:s0] =	ssyncset.done @!p0 $0x0  }
0xc2: {  	[sflag:s0] =	ssyncadd.s32 @!p0 s1  }
0xc3: {  	[bflag:$0x3] =	sbarrier.arrive $0xFFFF  }
0xc4: {  	_ =	shalt  }

// kernel: kernel.9.cloned.1.call-start
scs
__scs_entry_jumppad:
0x0: {  	(pc) =	sbr.rel $0x88, $3  }
0x1: {  	(tag) =	ssettag $0x0;
	lr =	simm.s32 $0x1  }
0x2: {  	[smem:$0x3F96] =	sst lr;
	_ =	strace $0xD0000000  }
0x3: {  	_ = 	snop  }
0x4: {  	_ = 	snop  }
0x5: {  	_ = 	snop  }
0x6: {  	_ = 	snop  }
0x7: {  	_ = 	snop  }
__scs_overlays_trampoline_lowered:
0x8: {  	[smem:$0x3FA5] =	sst s0  }
0x9: {  	[smem:$0x3FA6] =	sst s1  }
0xa: {  	[smem:$0x3FA7] =	sst s2  }
0xb: {  	[smem:$0x3FA8] =	sst s3  }
0xc: {  	[smem:$0x3FA9] =	sst s4  }
0xd: {  	[smem:$0x3FAA] =	sst s5  }
0xe: {  	[smem:$0x3FAB] =	sst s6  }
0xf: {  	[smem:$0x3FAC] =	sst s7  }
0x10: {  	[smem:$0x3FAD] =	sst s8  }
0x11: {  	[smem:$0x3FAE] =	sst s9;
	s0 =	simm.s32 @!p0 $0x0  }
0x12: {  	s1 =	sld [smem:$0x3F94];
	s0 =	simm.s32 @p0 $0x1  }
0x13: {  	[smem:$0x3FAF] =	sst s0;
	s0 =	simm.s32 @!p1 $0x0  }
0x14: {  	s2 =	sld [smem:$0x3F93];
	s0 =	simm.s32 @p1 $0x1  }
0x15: {  	[smem:$0x3FB0] =	sst s0;
	s0 =	simm.s32 @!p2 $0x0  }
0x16: {  	s3 =	sld [smem:$0x3FDB];
	s0 =	simm.s32 @p2 $0x1  }
0x17: {  	s4 =	simm.s32 $0x1BF5;
	[smem:$0x3FB2] =	sst s0  }
0x18: {  	s0 =	sld [smem:$0x3F95];
	_ =	swait.ge [sflag:s4], $0x0  }
0x19: {  	s7 =	sld [smem:$0x3F96]  }
0x1a: {  	s8 =	sadd.s32 $0xFFFFE003, lr  }
0x1b: {  	s9 =	sadd.s32 $0xFFFFFEF7, lr;
	s5 =	simm.s32 $0xFFFFFFFF;
	p2 =	slt.u32 s8, $0xFFFFF086  }
0x1c: {  	p1 =	slt.u32 s9, $0xF7A;
	s5 =	simm.s32 @!p2 $0x0  }
0x1d: {  	s5 =	simm.s32 @p1 $0x1;
	p0 =	seq.s32 s7, s2  }
0x1e: {  	s7 =	smul.u32 @!p0 $0xF7A, s2;
	p2 =	seq.s32 @!p0 s5, $0x0  }
0x1f: {  	s9 =	smul.u32 $0xF7A, s1;
	s8 =	simm.s32 @!p0 $0x1BF5;
	p2 =	por !p2, p0  }
0x20: {  	[sflag:s8] =	ssyncset.s32 @!p0 $0xFFFFF086;
	s6 =	sadd.s32 @!p0 s3, s7;
	s7 =	simm.s32 @!p0 $0x108  }
0x21: {  	s3 =	sadd.s32 s3, s9;
	s6 =	sadd.s32 @!p0 $0x88, s6;
	s7 =	simm.s32 @p2 $0x1082  }
0x22: {  	[simem:s7], [sflag:s8] =	dma.local @!p0 [hbm:s6], $0xF7A  }
0x23: {  	s9 =	sor.u32 $0xD0000000, s2;
	s6 =	simm.s32 $0x108;
	_ =	swait.ge @!p0 [sflag:s8], $0x0  }
0x24: {  	s3 =	sadd.s32 $0x88, s3;
	s6 =	simm.s32 @!p1 $0x1082;
	[sflag:s4] =	ssyncset.s32 $0xFFFFF086  }
0x25: {  	[simem:s6], [sflag:s4] =	dma.local [hbm:s3], $0xF7A  }
0x26: {  	[smem:$0x3F96] =	sst s1;
	(tag) =	ssettag s2;
	_ =	strace s9  }
0x27: {  	s1 =	sld [smem:$0x3FA6]  }
0x28: {  	s2 =	sld [smem:$0x3FA7]  }
0x29: {  	s4 =	sld [smem:$0x3FA9]  }
0x2a: {  	p0 =	seq.s32 s5, $0x0;
	s5 =	sld [smem:$0x3FAA]  }
0x2b: {  	s6 =	sld [smem:$0x3FAB]  }
0x2c: {  	s7 =	sld [smem:$0x3FAC]  }
0x2d: {  	s3 =	simm.s32 $0x108;
	s8 =	sld [smem:$0x3FAD]  }
0x2e: {  	s3 =	simm.s32 @!p0 $0x1082;
	s9 =	sld [smem:$0x3FAE]  }
0x2f: {  	lr =	sadd.s32 s0, s3;
	s0 =	sld [smem:$0x3FA5]  }
0x30: {  	s3 =	sld [smem:$0x3FA8]  }
0x31: {  	[smem:$0x3FB1] =	sst s10  }
0x32: {  	s10 =	sld [smem:$0x3FAF];
	_ =	sdelay $0x3  }
0x33: {  	p0 =	seq.s32 s10, $0x1;
	s10 =	sld [smem:$0x3FB1];
	_ =	sdelay $0x3  }
0x34: {  	[smem:$0x3FB1] =	sst s10  }
0x35: {  	s10 =	sld [smem:$0x3FB0];
	_ =	sdelay $0x3  }
0x36: {  	p1 =	seq.s32 s10, $0x1;
	s10 =	sld [smem:$0x3FB1];
	_ =	sdelay $0x3  }
0x37: {  	[smem:$0x3FB1] =	sst s10  }
0x38: {  	s10 =	sld [smem:$0x3FB2]  }
0x39: {  	_ = 	snop;
	(pc) =	sbr.ind lr, $3  }
0x3a: {  	_ = 	snop  }
0x3b: {  	_ = 	snop  }
0x3c: {  	p2 =	seq.s32 s10, $0x1;
	s10 =	sld [smem:$0x3FB1]  }
0x3d: {  	_ =	shalt  }
0x3e: {  	_ =	shalt  }
0x3f: {  	_ =	shalt  }
0x40: {  	_ =	shalt  }
0x41: {  	_ =	shalt  }
0x42: {  	_ =	shalt  }
0x43: {  	_ =	shalt  }
0x44: {  	_ =	shalt  }
0x45: {  	_ =	shalt  }
0x46: {  	_ =	shalt  }
0x47: {  	_ =	shalt  }
0x48: {  	_ =	shalt  }
0x49: {  	_ =	shalt  }
0x4a: {  	_ =	shalt  }
0x4b: {  	_ =	shalt  }
0x4c: {  	_ =	shalt  }
0x4d: {  	_ =	shalt  }
0x4e: {  	_ =	shalt  }
0x4f: {  	_ =	shalt  }
0x50: {  	_ =	shalt  }
0x51: {  	_ =	shalt  }
0x52: {  	_ =	shalt  }
0x53: {  	_ =	shalt  }
0x54: {  	_ =	shalt  }
0x55: {  	_ =	shalt  }
0x56: {  	_ =	shalt  }
0x57: {  	_ =	shalt  }
0x58: {  	_ =	shalt  }
0x59: {  	_ =	shalt  }
0x5a: {  	_ =	shalt  }
0x5b: {  	_ =	shalt  }
0x5c: {  	_ =	shalt  }
0x5d: {  	_ =	shalt  }
0x5e: {  	_ =	shalt  }
0x5f: {  	_ =	shalt  }
0x60: {  	_ =	shalt  }
0x61: {  	_ =	shalt  }
0x62: {  	_ =	shalt  }
0x63: {  	_ =	shalt  }
0x64: {  	_ =	shalt  }
0x65: {  	_ =	shalt  }
0x66: {  	_ =	shalt  }
0x67: {  	_ =	shalt  }
0x68: {  	_ =	shalt  }
0x69: {  	_ =	shalt  }
0x6a: {  	_ =	shalt  }
0x6b: {  	_ =	shalt  }
0x6c: {  	_ =	shalt  }
0x6d: {  	_ =	shalt  }
0x6e: {  	_ =	shalt  }
0x6f: {  	_ =	shalt  }
0x70: {  	_ =	shalt  }
0x71: {  	_ =	shalt  }
0x72: {  	_ =	shalt  }
0x73: {  	_ =	shalt  }
0x74: {  	_ =	shalt  }
0x75: {  	_ =	shalt  }
0x76: {  	_ =	shalt  }
0x77: {  	_ =	shalt  }
0x78: {  	_ =	shalt  }
0x79: {  	_ =	shalt  }
0x7a: {  	_ =	shalt  }
0x7b: {  	_ =	shalt  }
0x7c: {  	_ =	shalt  }
0x7d: {  	_ =	shalt  }
0x7e: {  	_ =	shalt  }
0x7f: {  	_ =	shalt  }
0x80: {  	_ =	shalt  }
0x81: {  	_ =	shalt  }
0x82: {  	_ =	shalt  }
0x83: {  	_ =	shalt  }
0x84: {  	_ =	shalt  }
0x85: {  	_ =	shalt  }
0x86: {  	_ =	shalt  }
0x87: {  	_ =	shalt  }
.Lfunc_end0:
.L_simem_size_0:
called_computation.1_lowered:
.L_overlay_start_0:
0x88: {  	s2 =	sld [smem:$0x3FD9]  }
0x89: {  	s3 =	sld [smem:$0x3FFE];
	_ =	sdelay $0x1  }
0x8a: {  	s1 =	srdreg.scid  }
0x8b: {  	s0 =	sand.u32 $0x1, s1  }
0x8c: {  	s16 =	sshll.u32 s0, $0xA;
	s2 =	sadd.s32 s3, s2  }
0x8d: {  	s2 =	sadd.s32 s2, s16  }
0x8e: {  	[smem:$0x3FBD] =	sst s2  }
0x8f: {  	_ = 	snop  }
0x90: {  	(tm) =	ssettm $0x1  }
0x91: {  	s17 =	sld [smem:$0x3FFB];
	_ =	sdelay $0x3  }
0x92: {  	_ =	strace s17  }
0x93: {  	s2 =	sld [smem:$0x3FFC];
	_ =	sdelay $0x3  }
0x94: {  	_ =	strace s2  }
0x95: {  	s2 =	sld [smem:$0x3FFD];
	_ =	sdelay $0x3  }
0x96: {  	_ =	strace s2  }
0x97: {  	_ =	strace $0x8FFFFFFF  }
0x98: {  	s18 =	sld [smem:$0x3FDB];
	_ =	sdelay $0x1  }
0x99: {  	s19 =	simm.s32 $_scs_section_size  }
0x9a: {  	s4 =	simm.s32 $_size__tile_overlayer_lowered;
	s5 =	simm.s32 $_tile_overlayer_lowered  }
0x9b: {  	s22 =	simm.s32 $0x1BFF;
	s21 =	sshll.u32 s5, $0x1;
	s2 =	sadd.s32 s19, s18  }
0x9c: {  	s6 =	simm.s32 $0x0;
	s20 =	sshll.u32 s4, $0x1;
	s4 =	sadd.s32 s21, s2  }
0x9d: {  	[timem:s6], [sflag:s22] =	dma.local [hbm:s4], s20  }
0x9e: {  	_ =	swait.ge [sflag:s22], s20  }
0x9f: {  	s3 =	ssub.s32 $0x0, s20;
	[sflag:s22] =	ssyncset.done $0x0  }
0xa0: {  	[sflag:s22] =	ssyncadd.s32 s3;
	_ =	sdelay $0x1  }
0xa1: {  	s23 =	simm.s32 $0x1B8B  }
0xa2: {  	_ =	swait.ge [sflag:s23], $0x1  }
0xa3: {  	[sflag:s23] =	ssyncset.done $0x0  }
0xa4: {  	s25 =	simm.s32 $0x1B8E;
	s24 =	sld [smem:$0x3FFE];
	[sflag:s23] =	ssyncadd.s32 $0xFFFFFFFF  }
0xa5: {  	s26 =	simm.s32 $execute0_lowered;
	[smem:$0x3FD2] =	sst s25  }
0xa6: {  	s4 =	sshll.u32 s26, $0x1;
	_ =	strace $0x80000049;
	[dreg:$0x1] =	wrdreg $0xFFFFFFFF  }
0xa7: {  	s28 =	simm.s32 $_size_execute0_lowered;
	s2 =	sadd.s32 s2, s4;
	[dreg:$0x0] =	wrdreg $0x0  }
0xa8: {  	s4 =	sshll.u32 s28, $0x1;
	[dreg:$0x2] =	wrdreg s2  }
0xa9: {  	[dreg:$0x3] =	wrdreg s4  }
0xaa: {  	[dreg:$0x4] =	wrdreg $0xC0  }
0xab: {  	_ =	task [dreg:s6], $0x5FFFF  }
0xac: {  	[dreg:$0x1] =	wrdreg $0xFFFFFFFF  }
0xad: {  	[dreg:$0x0] =	wrdreg $0x60  }
0xae: {  	[dreg:$0x2] =	wrdreg s24  }
0xaf: {  	[dreg:$0x3] =	wrdreg $0x82000  }
0xb0: {  	[dreg:$0x4] =	wrdreg $0x9  }
0xb1: {  	_ =	task.clear_ibuf [dreg:s6], $0x5FFFF;
	_ =	strace $0x90000049  }
0xb2: {  	s29 =	simm.s32 $0x9;
	_ =	strace $0x8000004B  }
0xb3: {  	_ =	swait.ge [sflag:s29], $0x1  }
0xb4: {  	[sflag:s29] =	ssyncadd.s32 $0xFFFFFFFF  }
0xb5: {  	_ =	strace $0x9000004B  }
0xb6: {  	_ =	sfence  }
0xb7: {  	s30 =	sld [smem:$0x0];
	_ =	sdelay $0x2  }
0xb8: {  	s31 =	sshll.u32 s1, $0xD;
	s1 =	sshrl.u32 s1, $0x2  }
0xb9: {  	s3 =	sand.u32 $0x4000, s31;
	s1 =	sadd.s32 s1, s30  }
0xba: {  	s0 =	sor.u32 s3, s0;
	s1 =	sshll.u32 s1, $0x11  }
0xbb: {  	s0 =	sor.u32 s1, s0  }
0xbc: {  	s0 =	sadd.s32 $0x8F2B, s0  }
0xbd: {  	[sflag:s0] =	ssyncadd.remote.s32 $0x1  }
0xbe: {  	_ =	sfence.sel $0xFFFF  }
0xbf: {  	[dreg:$0x0] =	wrdreg $0xFFFFFFFF;
	(pc) =	sbr.abs _section_cstart, $3  }
0xc0: {  	[dreg:$0x1] =	wrdreg $0xFFFFFFFF  }
0xc1: {  	_ =	task.clear_ibuf [dreg:s6], $0x2FFFF;
	_ =	strace $0x9FFFFFFF  }
0xc2: {  	(tm) =	ssettm $0x7FFFFFFF  }
0xc3: {  	_ =	shalt  }
tec
execute0_lowered:
.L_overlay_start_1:
0x0: {  	(tag) =	ssettag $0x1  }
0x1: {  	s0 =	rddreg [dreg:$0x0]  }
0x2: {  	s1 =	rddreg [dreg:$0x1]  }
0x3: {  	s2 =	simm.s32 $0x0;
	s20 =	srdreg.scid;
	s24 =	stileid.u32  }
0x4: {  	s19 =	simm.s32 $0x5;
	s28 =	simm.s32 $0x4200;
	s29 =	simm.s32 $0x3  }
0x5: {  	s30 =	simm.s32 $0x1;
	s31 =	simm.s32 $0x4;
	[smem:$0x7FF] =	sst s2  }
0x6: {  	s3 =	sadd.s32 $0x3D000, s0;
	s4 =	sadd.s32 $0xC000, s0;
	s5 =	sadd.s32 $0x2200, s0  }
0x7: {  	s6 =	sadd.s32 $0x15E00, s0;
	s0 =	sadd.s32 $0x64200, s0;
	s11 =	smul.u32 $0x13C00, s24  }
0x8: {  	s7 =	sshll.u32 s24, $0x1;
	s16 =	smul.u32 $0x4F000, s24;
	s26 =	sshll.u32 s24, $0x5  }
0x9: {  	p1 =	seq.s32 s24, $0xF;
	p2 =	sgt.u32 s24, $0x1;
	_ =	strace $0x8000004A  }
0xa: {  	[dreg:$0x3] =	wrdreg s6;
	s6 =	sand.u32 $0x1, s20;
	s17 =	sadd.s32 s26, s5  }
0xb: {  	s20 =	simm.s32 $0x100;
	s8 =	ssub.s32 $0x2, s6;
	s7 =	sor.u32 s6, s7  }
0xc: {  	s13 =	smul.u32 $0x138800, s6;
	s25 =	sshrl.u32 s16, $0x2;
	s6 =	sshll.u32 s6, $0x4  }
0xd: {  	s9 =	sshrl.u32 s8, $0x1;
	s10 =	sshll.u32 s7, $0x4;
	s25 =	sadd.s32 s25, s1  }
0xe: {  	s7 =	sor.u32 $0x9C0, s7;
	s17 =	sadd.s32 s6, s17;
	s14 =	ssub.s32 s8, s9  }
0xf: {  	s21 =	sadd.s32 s4, s10;
	s22 =	sadd.s32 s5, s10;
	s12 =	sor.u32 $0x200, s10  }
0x10: {  	s15 =	sadd.s32 s11, s13;
	s13 =	sshrl.u32 s13, $0x3;
	[dreg:$0x4] =	wrdreg s21  }
0x11: {  	p0 =	slt.u32 s7, $0x9C4;
	s25 =	sshrl.u32 @!p1 s25, $0x3;
	[dreg:$0x5] =	wrdreg s22  }
0x12: {  	s10 =	sadd.s32 s4, s12;
	s11 =	sadd.s32 s5, s12;
	s23 =	sshrl.u32 s15, $0x3  }
0x13: {  	s14 =	smax.u32 s14, $0x1;
	s21 =	simm.s32 $0x80;
	s22 =	simm.s32 $0x200  }
0x14: {  	s12 =	sadd.s32 s0, s23;
	s0 =	sadd.s32 s0, s13;
	s23 =	simm.s32 $0x180  }
0x15: {  	s13 =	sadd.s32 $0x25080, s0;
	s0 =	sshll.u32 s7, $0x4;
	s7 =	sadd.s32 $0x128400, s1  }
0x16: {  	s0 =	simm.s32 @!p0 $0x0;
	p0 =	sne.s32 s24, $0x0;
	s24 =	sshrl.u32 @p1 s7, $0x3  }
0x17: {  	s15 =	sadd.s32 s4, s0;
	s16 =	sadd.s32 s5, s0;
	s0 =	sadd.s32 s26, s4  }
0x18: {  	s26 =	simm.s32 $0x2;
	s18 =	sadd.s32 s6, s0;
	s0 =	simm.s32 $0x0  }
.LBB2_1:
0x19: {  	s6 =	sshrl.u32 @!p0 s1, $0x3;
	s7 =	simm.s32 @!p0 $0x1C05;
	s8 =	rddreg [dreg:$0x3]  }
0x1a: {  	[spmem:s6], [sflag:s7] =	dma.local @!p0 [hbm:s8], $0x27100  }
0x1b: {  	s6 =	simm.s32 @!p0 $0x5  }
0x1c: {  	_ =	swait.ge @!p0 [sflag:s6], $0x27100  }
0x1d: {  	[sflag:s6] =	ssyncset.done @!p0 $0x0  }
0x1e: {  	[sflag:s6] =	ssyncadd.s32 @!p0 $0xFFFD8F00  }
0x1f: {  	[bflag:$0x0] =	sbarrier.arrive $0xFFFF  }
0x20: {  	s7 =	rddreg [dreg:$0x4]  }
0x21: {  	[tilespmem:s2], [sflag:$0x5] =	stream.linear.gather [hbm4b:s7+s2], $0x80, $0x38;
	[tilespmem:$0x1BA80] =	vst v63  }
0x22: {  	_ =	swait.ge [sflag:s19], $0x80  }
0x23: {  	[sflag:s19] =	ssyncset.done $0x0  }
0x24: {  	s8 =	rddreg [dreg:$0x5];
	[sflag:s19] =	ssyncadd.s32 $0xFFFFFF80  }
0x25: {  	[tilespmem:s20], [sflag:$0x5] =	stream.linear.gather [hbm4b:s8+s2], $0x80, $0x38;
	[tilespmem:$0x1BA80] =	vst v63  }
0x26: {  	_ =	swait.ge [sflag:s19], $0x80  }
0x27: {  	[sflag:s19] =	ssyncset.done $0x0  }
0x28: {  	[sflag:s19] =	ssyncadd.s32 $0xFFFFFF80  }
0x29: {  	[tilespmem:s22], [sflag:$0x3] =	stream.indirect.gather [hbm4b:s3+s21], $0x80, s2, s21, $0xb8;
	[tilespmem:$0x1BA80] =	vst v63  }
0x2a: {  	_ = 	snop  }
0x2b: {  	[tilespmem:s21], [sflag:$0x2] =	stream.linear.gather [hbm4b:s10+s2], $0x80, $0x38;
	[tilespmem:$0x1BA80] =	vst v63  }
0x2c: {  	_ = 	snop  }
0x2d: {  	[tilespmem:s23], [sflag:$0x2] =	stream.linear.gather [hbm4b:s11+s2], $0x80, $0x38;
	[tilespmem:$0x1BA80] =	vst v63  }
0x2e: {  	_ =	swait.ge [sflag:s26], $0x80  }
0x2f: {  	[sflag:s26] =	ssyncset.done $0x0  }
0x30: {  	[sflag:s26] =	ssyncadd.s32 $0xFFFFFF80  }
0x31: {  	_ =	swait.ge [sflag:s26], $0x80  }
0x32: {  	[sflag:s26] =	ssyncset.done $0x0  }
0x33: {  	[sflag:s26] =	ssyncadd.s32 $0xFFFFFF80  }
0x34: {  	[tilespmem:s28], [sflag:$0x4] =	stream.indirect.gather [hbm4b:s3+s21], $0x80, s21, s21, $0xb8;
	[tilespmem:$0x1BA80] =	vst v63  }
0x35: {  	_ =	swait.ge [sflag:s29], $0x4000  }
0x36: {  	[sflag:s29] =	ssyncset.done $0x0  }
0x37: {  	[sflag:s29] =	ssyncadd.s32 $0xFFFFC000  }
0x38: {  	[spmem:s1] =	stream.indirect.scatter.add.f32 [tilespmem:s22], [sflag:$0x5], $0x80, s20, s21, $0xb8;
	[tilespmem:$0x1BA80] =	vst v63  }
0x39: {  	_ =	swait.ge [sflag:s19], $0x4000  }
0x3a: {  	s6 =	sadd.s32 $0x0, s18;
	[sflag:s19] =	ssyncset.done $0x0  }
0x3b: {  	s9 =	sadd.s32 $0x400, s6;
	s8 =	sadd.s32 $0x0, s17;
	[sflag:s19] =	ssyncadd.s32 $0xFFFFC000  }
0x3c: {  	[tilespmem:s2], [sflag:$0x1] =	stream.linear.gather [hbm4b:s9+s2], $0x80, $0x38;
	[tilespmem:$0x1BA80] =	vst v63  }
0x3d: {  	s9 =	sadd.s32 $0x400, s8  }
0x3e: {  	[tilespmem:s20], [sflag:$0x1] =	stream.linear.gather [hbm4b:s9+s2], $0x80, $0x38;
	[tilespmem:$0x1BA80] =	vst v63  }
0x3f: {  	_ =	swait.ge [sflag:s30], $0x80  }
0x40: {  	[sflag:s30] =	ssyncset.done $0x0  }
0x41: {  	[sflag:s30] =	ssyncadd.s32 $0xFFFFFF80  }
0x42: {  	_ =	swait.ge [sflag:s30], $0x80  }
0x43: {  	[sflag:s30] =	ssyncset.done $0x0  }
0x44: {  	[sflag:s30] =	ssyncadd.s32 $0xFFFFFF80  }
0x45: {  	[tilespmem:s22], [sflag:$0x3] =	stream.indirect.gather [hbm4b:s3+s21], $0x80, s2, s21, $0xb8;
	[tilespmem:$0x1BA80] =	vst v63  }
0x46: {  	_ =	swait.ge [sflag:s31], $0x4000  }
0x47: {  	[sflag:s31] =	ssyncset.done $0x0  }
0x48: {  	[sflag:s31] =	ssyncadd.s32 $0xFFFFC000  }
0x49: {  	[spmem:s1] =	stream.indirect.scatter.add.f32 [tilespmem:s28], [sflag:$0x5], $0x80, s23, s21, $0xb8;
	[tilespmem:$0x1BA80] =	vst v63  }
0x4a: {  	_ =	swait.ge [sflag:s19], $0x4000  }
0x4b: {  	[sflag:s19] =	ssyncset.done $0x0  }
0x4c: {  	s6 =	sadd.s32 $0x600, s6;
	[sflag:s19] =	ssyncadd.s32 $0xFFFFC000  }
0x4d: {  	[tilespmem:s21], [sflag:$0x2] =	stream.linear.gather [hbm4b:s6+s2], $0x80, $0x38;
	[tilespmem:$0x1BA80] =	vst v63  }
0x4e: {  	s7 =	simm.s32 $0x400;
	s6 =	sadd.s32 $0x600, s8  }
.LBB2_2:
0x4f: {  	[tilespmem:s23], [sflag:$0x2] =	stream.linear.gather [hbm4b:s6+s2], $0x80, $0x38;
	[tilespmem:$0x1BA80] =	vst v63  }
0x50: {  	s6 =	smov.u32 s7  }
0x51: {  	p3 =	sne.s32 s7, $0x9400;
	s7 =	sadd.s32 $0x400, s7;
	_ =	swait.ge [sflag:s26], $0x80  }
0x52: {  	[sflag:s26] =	ssyncset.done $0x0  }
0x53: {  	[sflag:s26] =	ssyncadd.s32 $0xFFFFFF80  }
0x54: {  	_ =	swait.ge [sflag:s26], $0x80  }
0x55: {  	[sflag:s26] =	ssyncset.done $0x0  }
0x56: {  	[sflag:s26] =	ssyncadd.s32 $0xFFFFFF80  }
0x57: {  	[tilespmem:s28], [sflag:$0x4] =	stream.indirect.gather [hbm4b:s3+s21], $0x80, s21, s21, $0xb8;
	[tilespmem:$0x1BA80] =	vst v63  }
0x58: {  	_ =	swait.ge [sflag:s29], $0x4000  }
0x59: {  	[sflag:s29] =	ssyncset.done $0x0  }
0x5a: {  	[sflag:s29] =	ssyncadd.s32 $0xFFFFC000  }
0x5b: {  	[spmem:s1] =	stream.indirect.scatter.add.f32 [tilespmem:s22], [sflag:$0x5], $0x80, s20, s21, $0xb8;
	[tilespmem:$0x1BA80] =	vst v63  }
0x5c: {  	_ =	swait.ge [sflag:s19], $0x4000  }
0x5d: {  	s8 =	sadd.s32 s6, s18;
	[sflag:s19] =	ssyncset.done $0x0  }
0x5e: {  	s6 =	sadd.s32 s6, s17;
	s9 =	sadd.s32 $0x400, s8;
	[sflag:s19] =	ssyncadd.s32 $0xFFFFC000  }
0x5f: {  	[tilespmem:s2], [sflag:$0x1] =	stream.linear.gather [hbm4b:s9+s2], $0x80, $0x38;
	[tilespmem:$0x1BA80] =	vst v63  }
0x60: {  	s9 =	sadd.s32 $0x400, s6  }
0x61: {  	[tilespmem:s20], [sflag:$0x1] =	stream.linear.gather [hbm4b:s9+s2], $0x80, $0x38;
	[tilespmem:$0x1BA80] =	vst v63  }
0x62: {  	_ =	swait.ge [sflag:s30], $0x80  }
0x63: {  	[sflag:s30] =	ssyncset.done $0x0  }
0x64: {  	[sflag:s30] =	ssyncadd.s32 $0xFFFFFF80  }
0x65: {  	_ =	swait.ge [sflag:s30], $0x80  }
0x66: {  	[sflag:s30] =	ssyncset.done $0x0  }
0x67: {  	[sflag:s30] =	ssyncadd.s32 $0xFFFFFF80  }
0x68: {  	[tilespmem:s22], [sflag:$0x3] =	stream.indirect.gather [hbm4b:s3+s21], $0x80, s2, s21, $0xb8;
	[tilespmem:$0x1BA80] =	vst v63  }
0x69: {  	_ =	swait.ge [sflag:s31], $0x4000  }
0x6a: {  	[sflag:s31] =	ssyncset.done $0x0  }
0x6b: {  	[sflag:s31] =	ssyncadd.s32 $0xFFFFC000  }
0x6c: {  	[spmem:s1] =	stream.indirect.scatter.add.f32 [tilespmem:s28], [sflag:$0x5], $0x80, s23, s21, $0xb8;
	[tilespmem:$0x1BA80] =	vst v63  }
.Ltmp0:
0x6d: {  	_ =	swait.ge [sflag:s19], $0x4000;
	(pc) =	sbr.rel @p3 .LBB2_2-.Ltmp0, $4  }
0x6e: {  	[sflag:s19] =	ssyncset.done $0x0  }
0x6f: {  	s8 =	sadd.s32 $0x600, s8;
	[sflag:s19] =	ssyncadd.s32 $0xFFFFC000  }
0x70: {  	[tilespmem:s21], [sflag:$0x2] =	stream.linear.gather [hbm4b:s8+s2], $0x80, $0x38;
	[tilespmem:$0x1BA80] =	vst v63  }
0x71: {  	s6 =	sadd.s32 $0x600, s6  }
0x72: {  	[tilespmem:s23], [sflag:$0x2] =	stream.linear.gather [hbm4b:s6+s2], $0x80, $0x38;
	[tilespmem:$0x1BA80] =	vst v63  }
0x73: {  	_ =	swait.ge [sflag:s26], $0x80  }
0x74: {  	[sflag:s26] =	ssyncset.done $0x0  }
0x75: {  	[sflag:s26] =	ssyncadd.s32 $0xFFFFFF80  }
0x76: {  	_ =	swait.ge [sflag:s26], $0x80  }
0x77: {  	[sflag:s26] =	ssyncset.done $0x0  }
0x78: {  	[sflag:s26] =	ssyncadd.s32 $0xFFFFFF80  }
0x79: {  	[tilespmem:s28], [sflag:$0x4] =	stream.indirect.gather [hbm4b:s3+s21], $0x80, s21, s21, $0xb8;
	[tilespmem:$0x1BA80] =	vst v63  }
0x7a: {  	_ =	swait.ge [sflag:s29], $0x4000  }
0x7b: {  	[sflag:s29] =	ssyncset.done $0x0  }
0x7c: {  	[sflag:s29] =	ssyncadd.s32 $0xFFFFC000  }
0x7d: {  	[spmem:s1] =	stream.indirect.scatter.add.f32 [tilespmem:s22], [sflag:$0x5], $0x80, s20, s21, $0xb8;
	[tilespmem:$0x1BA80] =	vst v63  }
0x7e: {  	_ =	swait.ge [sflag:s19], $0x4000  }
0x7f: {  	[sflag:s19] =	ssyncset.done $0x0  }
0x80: {  	[sflag:s19] =	ssyncadd.s32 $0xFFFFC000  }
0x81: {  	[tilespmem:s2], [sflag:$0x1] =	stream.linear.gather [hbm4b:s15+s2], $0x80, $0x38;
	[tilespmem:$0x1BA80] =	vst v63  }
0x82: {  	_ = 	snop  }
0x83: {  	[tilespmem:s20], [sflag:$0x1] =	stream.linear.gather [hbm4b:s16+s2], $0x80, $0x38;
	[tilespmem:$0x1BA80] =	vst v63  }
0x84: {  	_ =	swait.ge [sflag:s30], $0x80  }
0x85: {  	[sflag:s30] =	ssyncset.done $0x0  }
0x86: {  	[sflag:s30] =	ssyncadd.s32 $0xFFFFFF80  }
0x87: {  	_ =	swait.ge [sflag:s30], $0x80  }
0x88: {  	[sflag:s30] =	ssyncset.done $0x0  }
0x89: {  	[sflag:s30] =	ssyncadd.s32 $0xFFFFFF80  }
0x8a: {  	[tilespmem:s22], [sflag:$0x3] =	stream.indirect.gather [hbm4b:s3+s21], $0x80, s2, s21, $0xb8;
	[tilespmem:$0x1BA80] =	vst v63  }
0x8b: {  	_ =	swait.ge [sflag:s31], $0x4000  }
0x8c: {  	[sflag:s31] =	ssyncset.done $0x0  }
0x8d: {  	[sflag:s31] =	ssyncadd.s32 $0xFFFFC000  }
0x8e: {  	[spmem:s1] =	stream.indirect.scatter.add.f32 [tilespmem:s28], [sflag:$0x5], $0x80, s23, s21, $0xb8;
	[tilespmem:$0x1BA80] =	vst v63  }
0x8f: {  	_ =	swait.ge [sflag:s19], $0x4000  }
0x90: {  	[sflag:s19] =	ssyncset.done $0x0  }
0x91: {  	[sflag:s19] =	ssyncadd.s32 $0xFFFFC000  }
0x92: {  	[tilespmem:s21], [sflag:$0x2] =	stream.linear.gather [hbm4b:s4+s2], $0x80, $0x38;
	[tilespmem:$0x1BA80] =	vst v63  }
0x93: {  	_ = 	snop  }
0x94: {  	[tilespmem:s23], [sflag:$0x2] =	stream.linear.gather [hbm4b:s5+s2], $0x80, $0x38;
	[tilespmem:$0x1BA80] =	vst v63  }
0x95: {  	_ =	swait.ge [sflag:s26], $0x80  }
0x96: {  	[sflag:s26] =	ssyncset.done $0x0  }
0x97: {  	[sflag:s26] =	ssyncadd.s32 $0xFFFFFF80  }
0x98: {  	_ =	swait.ge [sflag:s26], $0x80  }
0x99: {  	[sflag:s26] =	ssyncset.done $0x0  }
0x9a: {  	[sflag:s26] =	ssyncadd.s32 $0xFFFFFF80  }
0x9b: {  	[tilespmem:s28], [sflag:$0x4] =	stream.indirect.gather [hbm4b:s3+s21], $0x80, s21, s21, $0xb8;
	[tilespmem:$0x1BA80] =	vst v63  }
0x9c: {  	_ =	swait.ge [sflag:s29], $0x4000  }
0x9d: {  	s6 =	simm.s32 @!p2 $0x80;
	[sflag:s29] =	ssyncset.done $0x0  }
0x9e: {  	s7 =	simm.s32 @!p2 $0x100;
	s8 =	simm.s32 @!p2 $0x200;
	[sflag:s29] =	ssyncadd.s32 $0xFFFFC000  }
0x9f: {  	[spmem:s1] =	stream.indirect.scatter.add.f32 @!p2 [tilespmem:s8], [sflag:$0x5], $0x80, s7, s6, $0xb8;
	[tilespmem:$0x1BA80] =	vst v63  }
0xa0: {  	s6 =	simm.s32 @!p2 $0x5  }
0xa1: {  	_ =	swait.ge @!p2 [sflag:s6], $0x4000  }
0xa2: {  	[sflag:s6] =	ssyncset.done @!p2 $0x0  }
0xa3: {  	[sflag:s6] =	ssyncadd.s32 @!p2 $0xFFFFC000  }
0xa4: {  	_ =	swait.ge [sflag:s31], $0x4000  }
0xa5: {  	[sflag:s31] =	ssyncset.done $0x0  }
0xa6: {  	[sflag:s31] =	ssyncadd.s32 $0xFFFFC000  }
0xa7: {  	s6 =	simm.s32 @p1 $0x1FC5;
	[bflag:$0x0] =	sbarrier.arrive $0xFFFF  }
0xa8: {  	[hbm:s13], [sflag:s6] =	dma.local @p1 [spmem:s24], $0x2080  }
0xa9: {  	s6 =	simm.s32 @p1 $0x5  }
0xaa: {  	s7 =	stileid.u32;
	_ =	swait.ge @p1 [sflag:s6], $0x2080  }
0xab: {  	s0 =	sadd.s32 $0x1, s0;
	s7 =	sshll.u32 @!p1 s7, $0x6;
	[sflag:s6] =	ssyncset.done @p1 $0x0  }
0xac: {  	p3 =	sne.s32 s0, s14;
	[sflag:s6] =	ssyncadd.s32 @p1 $0xFFFFDF80;
	s6 =	sor.u32 @!p1 $0x1C05, s7  }
0xad: {  	[hbm:s12], [sflag:s6] =	dma.local @!p1 [spmem:s25], $0x2780  }
.Ltmp1:
0xae: {  	_ = 	snop;
	(pc) =	sbr.rel @p3 .LBB2_1-.Ltmp1, $4  }
0xaf: {  	s6 =	simm.s32 @!p1 $0x5  }
0xb0: {  	_ =	swait.ge @!p1 [sflag:s6], $0x2780  }
0xb1: {  	[sflag:s6] =	ssyncset.done @!p1 $0x0  }
0xb2: {  	[sflag:s6] =	ssyncadd.s32 @!p1 $0xFFFFD880  }
0xb3: {  	_ =	sfence.sel $0x180000  }
0xb4: {  	[bflag:$0x0] =	sbarrier.arrive $0xFFFF  }
0xb5: {  	_ =	strace $0x9000004A  }
0xb6: {  	[bflag:$0x2] =	sbarrier.arrive $0xFFFF  }
0xb7: {  	s0 =	rddreg [dreg:$0x2]  }
0xb8: {  	s0 =	sadd.s32 @!p0 $0x100000, s0  }
0xb9: {  	[sflag:s0] =	ssyncadd.tile.s32 @!p0 $0x1;
	_ =	shalt  }
.Lfunc_end2:
_tile_overlayer_lowered:
.L_overlay_start_2:
0xba: {  	(tag) =	ssettag $0x2  }
0xbb: {  	s0 =	rddreg [dreg:$0x0];
	s2 =	stileid.u32  }
0xbc: {  	s1 =	rddreg [dreg:$0x1];
	p0 =	sne.s32 s2, $0x0  }
0xbd: {  	s3 =	rddreg [dreg:$0x2];
	[bflag:$0x3] =	sbarrier.arrive $0xFFFF;
	s2 =	simm.s32 @!p0 $0x1C05  }
0xbe: {  	[timem:s3], [sflag:s2] =	dma.local @!p0 [hbm:s0], s1  }
0xbf: {  	s0 =	simm.s32 @!p0 $0x5  }
0xc0: {  	_ =	swait.ge @!p0 [sflag:s0], s1  }
0xc1: {  	s1 =	ssub.s32 @!p0 $0x0, s1;
	[sflag:s0] =	ssyncset.done @!p0 $0x0  }
0xc2: {  	[sflag:s0] =	ssyncadd.s32 @!p0 s1  }
0xc3: {  	[bflag:$0x3] =	sbarrier.arrive $0xFFFF  }
0xc4: {  	_ =	shalt  }

</sc_bundles>
